<compile_context>
chip_gen: v7x
topology: tpu7x:2x2x1
jax: 0.10.2.dev20260603
libtpu: 0.0.44.dev20260713+nightly
codegen_flags: <defaults>
</compile_context>

<pallas_src>
import functools

import jax
import jax.numpy as jnp
from jax import lax
from jax.experimental import pallas as pl
from jax.experimental.pallas import tpu as pltpu
from jax.experimental.pallas import tpu_sc as plsc

VOCAB = 1000000
EMBED = 64
HIDDEN = 128
CLASSES = 5
BATCH = 4096
SEQ = 200

CHUNKS = ((0, 104), (104, 96))
CHUNK = 104
NC = 2
NS = 16
NW = NC * NS
BPW = BATCH // NW
NV = EMBED // 16


def _pool_body(idx_hbm, table_hbm, out_hbm, idx_v, rows_v, acc_v, sem0, sem1):
    cid = lax.axis_index("c")
    sid = lax.axis_index("s")
    wid = sid * NC + cid
    obase = wid * BPW

    pltpu.sync_copy(idx_hbm.at[pl.ds(obase, BPW)], idx_v)

    def start(b, h, buf, sem):
        off, n = CHUNKS[h]
        pltpu.async_copy(
            table_hbm.at[idx_v.at[b, pl.ds(off, n)]],
            rows_v.at[buf, pl.ds(0, n)],
            sem,
        )

    def wait(b, h, buf, sem):
        off, n = CHUNKS[h]
        pltpu.make_async_copy(
            table_hbm.at[idx_v.at[b, pl.ds(off, n)]],
            rows_v.at[buf, pl.ds(0, n)],
            sem,
        ).wait()

    def sum_chunk(h, buf, acc):
        n = CHUNKS[h][1]

        def rbody(i, acc):
            accs = list(acc)
            for u in range(8):
                r = i * 8 + u
                lo = plsc.bitcast(rows_v[buf, r, pl.ds(0, 16)], jnp.bfloat16)
                hi = plsc.bitcast(rows_v[buf, r, pl.ds(16, 16)], jnp.bfloat16)
                a0, a1 = plsc.unpack(lo, format=plsc.PackFormat.INTERLEAVED)
                b0, b1 = plsc.unpack(hi, format=plsc.PackFormat.INTERLEAVED)
                accs[0] = accs[0] + a0
                accs[1] = accs[1] + b0
                accs[2] = accs[2] + a1
                accs[3] = accs[3] + b1
            return tuple(accs)

        return lax.fori_loop(0, n // 8, rbody, acc)

    start(0, 0, 0, sem0)
    start(0, 1, 1, sem1)

    def gbody(g, carry):
        zero = jnp.zeros((16,), jnp.float32)
        acc = (zero,) * NV
        wait(g, 0, 0, sem0)
        acc = sum_chunk(0, 0, acc)

        @pl.when(g < BPW - 1)
        def _():
            start(g + 1, 0, 0, sem0)

        wait(g, 1, 1, sem1)
        acc = sum_chunk(1, 1, acc)

        @pl.when(g < BPW - 1)
        def _():
            start(g + 1, 1, 1, sem1)

        for j in range(NV):
            acc_v[g, pl.ds(j * 16, 16)] = acc[j]
        return carry

    lax.fori_loop(0, BPW, gbody, 0)
    pltpu.sync_copy(acc_v, out_hbm.at[pl.ds(obase, BPW)])


@functools.partial(jax.jit, static_argnames=())
def _sc_pool(idx2, table):
    mesh = plsc.VectorSubcoreMesh(core_axis_name="c", subcore_axis_name="s")
    return pl.kernel(
        _pool_body,
        out_type=jax.ShapeDtypeStruct((BATCH, EMBED), jnp.float32),
        mesh=mesh,
        scratch_types=[
            pltpu.VMEM((BPW, SEQ), jnp.int32),
            pltpu.VMEM((2, CHUNK, EMBED // 2), jnp.float32),
            pltpu.VMEM((BPW, EMBED), jnp.float32),
            pltpu.SemaphoreType.DMA,
            pltpu.SemaphoreType.DMA,
        ],
        compiler_params=pltpu.CompilerParams(
            use_tc_tiling_on_sc=False, needs_layout_passes=False
        ),
        name="cbow_pool_sc",
    )(idx2, table)


VB = 32768


def _lin_body(t_ref, o_ref):
    xb = t_ref[...].astype(jnp.bfloat16)
    q4 = VB // 4
    acc = None
    for q in range(4):
        eyeq = (
            jax.lax.broadcasted_iota(jnp.int32, (32, 128), 0) + 32 * q
            == jax.lax.broadcasted_iota(jnp.int32, (32, 128), 1)
        ).astype(jnp.bfloat16)
        xa = xb[0:32, q * q4 : (q + 1) * q4]
        xc = xb[32:64, q * q4 : (q + 1) * q4]
        ya = jax.lax.dot_general(
            xa, eyeq, (((0,), (0,)), ((), ())),
            preferred_element_type=jnp.float32,
        )
        yc = jax.lax.dot_general(
            xc, eyeq, (((0,), (0,)), ((), ())),
            preferred_element_type=jnp.float32,
        )
        wq = (jax.lax.bitcast_convert_type(ya, jnp.uint32) >> 16) | (
            jax.lax.bitcast_convert_type(yc, jnp.uint32)
        )
        acc = wq if acc is None else acc | wq
    o_ref[...] = jax.lax.bitcast_convert_type(acc, jnp.float32)


N_VBLK = (VOCAB + VB - 1) // VB
VOCAB_PAD = N_VBLK * VB


def _tc_linearize(table_t):
    return pl.pallas_call(
        _lin_body,
        grid=(N_VBLK,),
        in_specs=[pl.BlockSpec((EMBED, VB), lambda i: (0, i))],
        out_specs=pl.BlockSpec((VB // 4, 128), lambda i: (i, 0)),
        out_shape=jax.ShapeDtypeStruct((VOCAB_PAD // 4, 128), jnp.float32),
    )(table_t)


def _mlp_body(x_ref, w1_ref, b1_ref, w2_ref, b2_ref, w3_ref, b3_ref, o_ref):
    x = x_ref[...]
    h1 = jnp.tanh(
        jnp.dot(x, w1_ref[...], preferred_element_type=jnp.float32) + b1_ref[...]
    )
    h2 = jnp.tanh(
        jnp.dot(h1, w2_ref[...], preferred_element_type=jnp.float32) + b2_ref[...]
    )
    o_ref[...] = (
        jnp.dot(h2, w3_ref[...], preferred_element_type=jnp.float32) + b3_ref[...]
    )


def _tc_mlp(pooled, W1, b1, W2, b2, W3, b3):
    blk = 1024
    grid = (BATCH // blk,)
    full = lambda shape: pl.BlockSpec(shape, lambda i: (0,) * len(shape))
    return pl.pallas_call(
        _mlp_body,
        grid=grid,
        in_specs=[
            pl.BlockSpec((blk, EMBED), lambda i: (i, 0)),
            full((EMBED, HIDDEN)),
            full((1, HIDDEN)),
            full((HIDDEN, HIDDEN)),
            full((1, HIDDEN)),
            full((HIDDEN, CLASSES)),
            full((1, CLASSES)),
        ],
        out_specs=pl.BlockSpec((blk, CLASSES), lambda i: (i, 0)),
        out_shape=jax.ShapeDtypeStruct((BATCH, CLASSES), jnp.float32),
    )(pooled, W1, b1, W2, b2, W3, b3)


def kernel(inputs, embed_table, W1, b1, W2, b2, W3, b3):
    flat = _tc_linearize(embed_table.T)
    qbits = (VB // 4).bit_length() - 1
    idx_lin = (
        (inputs & ~(VB - 1))
        + ((inputs & (VB // 4 - 1)) << 2)
        + ((inputs >> qbits) & 3)
    )
    pooled = _sc_pool(idx_lin, flat.reshape(VOCAB_PAD, EMBED // 2))
    return _tc_mlp(
        pooled,
        W1,
        b1.reshape(1, HIDDEN),
        W2,
        b2.reshape(1, HIDDEN),
        W3,
        b3.reshape(1, CLASSES),
    )

# --- scband reference (transcript-rebuilt; emitter-appended) ---
"""Pipeline reference for scband-deep-cbow-8203387535634 (READ-ONLY COPY).

The authoritative reference and input builder live on the scoring server;
editing this copy changes nothing except your own understanding.
"""

import jax, jax.numpy as jnp
import numpy as np

VOCAB = 1000000
EMBED = 64
HIDDEN = 128
CLASSES = 5
BATCH = 4096
SEQ = 200

def setup_inputs(seed: int = 0) -> dict:
    key = jax.random.key(seed)
    k_idx, k_tab, k_w1, k_b1, k_w2, k_b2, k_w3, k_b3 = jax.random.split(key, 8)
    inputs = jax.random.randint(k_idx, (BATCH, SEQ), 0, VOCAB, dtype=jnp.int64 if jax.config.jax_enable_x64 else jnp.int32).astype(jnp.int32)
    embed_table = jax.random.normal(k_tab, (VOCAB, EMBED), dtype=jnp.float32)
    W1 = jax.random.normal(k_w1, (EMBED, HIDDEN), dtype=jnp.float32) * 0.05
    b1 = jax.random.normal(k_b1, (HIDDEN,), dtype=jnp.float32) * 0.05
    W2 = jax.random.normal(k_w2, (HIDDEN, HIDDEN), dtype=jnp.float32) * 0.05
    b2 = jax.random.normal(k_b2, (HIDDEN,), dtype=jnp.float32) * 0.05
    W3 = jax.random.normal(k_w3, (HIDDEN, CLASSES), dtype=jnp.float32) * 0.05
    b3 = jax.random.normal(k_b3, (CLASSES,), dtype=jnp.float32) * 0.05
    return {"inputs": inputs, "embed_table": embed_table, "W1": W1, "b1": b1, "W2": W2, "b2": b2, "W3": W3, "b3": b3}

def reference(inputs, embed_table, W1, b1, W2, b2, W3, b3):
    # embedding lookup: [B, S] -> [B, S, E]
    embeds = jnp.take(embed_table, inputs, axis=0)
    # sum over sequence dim: [B, E]
    embeds_sum = embeds.sum(axis=1)
    # MLP: Linear -> Tanh -> Linear -> Tanh -> Linear
    h1 = jnp.tanh(embeds_sum @ W1 + b1)
    h2 = jnp.tanh(h1 @ W2 + b2)
    logits = h2 @ W3 + b3
    return logits

if __name__ == "__main__":
    import jax
    _d = setup_inputs()
    print(jax.jit(kernel)(*tuple(_d.values())))

</pallas_src>

<mosaic_0001>
#map = affine_map<(d0, d1) -> (0, 0)>
module attributes {stable_mosaic.version = 14 : i64} {
  func.func @cbow_pool_sc(%arg0: i32, %arg1: i32, %arg2: memref<4096x200xi32, #tpu.memory_space<hbm>>, %arg3: memref<1015808x32xf32, #tpu.memory_space<hbm>>, %arg4: memref<4096x64xf32, #tpu.memory_space<hbm>>, %arg5: memref<128x200xi32, #tpu.memory_space<vmem>>, %arg6: memref<2x104x32xf32, #tpu.memory_space<vmem>>, %arg7: memref<128x64xf32, #tpu.memory_space<vmem>>, %arg8: memref<!tpu.dma_semaphore, #tpu.memory_space<semaphore_mem>>, %arg9: memref<!tpu.dma_semaphore, #tpu.memory_space<semaphore_mem>>) attributes {dimension_semantics = [#tpu.dimension_semantics<core_parallel>, #tpu.dimension_semantics<subcore_parallel>], iteration_bounds = array<i64: 2, 16>, scalar_prefetch = 0 : i64, scratch_operands = 5 : i64, tpu.core_type = #tpu.core_type<sc_vector_subcore>, window_params = [{transform_indices = #map}, {transform_indices = #map}, {transform_indices = #map}]} {
    %mul3A = arith.constant 2 : i32
    %mul3A_0 = arith.muli %arg1, %mul3A : i32
    %add3A = arith.addi %mul3A_0, %arg0 : i32
    %mul3A_1 = arith.constant 128 : i32
    %mul3A_2 = arith.muli %add3A, %mul3A_1 : i32
    "tpu.region"() ({
      %run_scoped3A = tpu.sem_alloc : memref<!tpu.dma_semaphore, #tpu.memory_space<semaphore_mem>>
      %dma_start3A_31 = arith.constant 0 : i32
      %dma_start3A_32 = tpu.memref_slice %arg2[%mul3A_2, %dma_start3A_31] : memref<4096x200xi32, #tpu.memory_space<hbm>> -> memref<128x200xi32, #tpu.memory_space<hbm>>
      %dma_start3A_33 = arith.constant 0 : i32
      %dma_start3A_34 = tpu.memref_slice %arg2[%mul3A_2, %dma_start3A_33] : memref<4096x200xi32, #tpu.memory_space<hbm>> -> memref<128x200xi32, #tpu.memory_space<hbm>>
      tpu.enqueue_dma source(%dma_start3A_34 : memref<128x200xi32, #tpu.memory_space<hbm>>) target(%arg5 : memref<128x200xi32, #tpu.memory_space<vmem>>) target_semaphore(%run_scoped3A : memref<!tpu.dma_semaphore, #tpu.memory_space<semaphore_mem>>)
      %dma_wait3A = arith.constant 0 : i32
      %dma_wait3A_35 = tpu.memref_slice %arg2[%mul3A_2, %dma_wait3A] : memref<4096x200xi32, #tpu.memory_space<hbm>> -> memref<128x200xi32, #tpu.memory_space<hbm>>
      %dma_wait3A_36 = arith.constant 0 : i32
      %dma_wait3A_37 = tpu.memref_slice %arg2[%mul3A_2, %dma_wait3A_36] : memref<4096x200xi32, #tpu.memory_space<hbm>> -> memref<128x200xi32, #tpu.memory_space<hbm>>
      tpu.wait_dma2 semaphore(%run_scoped3A : memref<!tpu.dma_semaphore, #tpu.memory_space<semaphore_mem>>) src(%dma_wait3A_37 : memref<128x200xi32, #tpu.memory_space<hbm>>) dst(%arg5 : memref<128x200xi32, #tpu.memory_space<vmem>>)
      tpu.yield
    }) : () -> ()
    %dma_start3A = arith.constant 0 : i32
    %dma_start3A_3 = arith.constant 0 : i32
    %dma_start3A_4 = arith.constant 0 : i32
    %dma_start3A_5 = arith.constant 0 : i32
    %dma_start3A_6 = tpu.memref_slice %arg6[%dma_start3A_3, %dma_start3A_4, %dma_start3A_5] : memref<2x104x32xf32, #tpu.memory_space<vmem>> -> memref<1x104x32xf32, #tpu.memory_space<vmem>>
    %dma_start3A_7 = tpu.memref_squeeze %dma_start3A_6 : memref<1x104x32xf32, #tpu.memory_space<vmem>> -> memref<104x32xf32, #tpu.memory_space<vmem>>
    %dma_start3A_8 = arith.constant 0 : i32
    %dma_start3A_9 = tpu.memref_slice %arg5[%dma_start3A, %dma_start3A_8] : memref<128x200xi32, #tpu.memory_space<vmem>> -> memref<1x104xi32, #tpu.memory_space<vmem>>
    %dma_start3A_10 = tpu.memref_squeeze %dma_start3A_9 : memref<1x104xi32, #tpu.memory_space<vmem>> -> memref<104xi32, #tpu.memory_space<vmem>>
    %dma_start3A_11 = arith.constant 0 : i32
    %dma_start3A_12 = arith.constant 0 : i32
    %dma_start3A_13 = tpu.memref_slice %arg3[%dma_start3A_11, %dma_start3A_12] : memref<1015808x32xf32, #tpu.memory_space<hbm>> -> memref<1015808x32xf32, #tpu.memory_space<hbm>>
    tpu.enqueue_indirect_dma source(%dma_start3A_13 : memref<1015808x32xf32, #tpu.memory_space<hbm>>) target(%dma_start3A_7 : memref<104x32xf32, #tpu.memory_space<vmem>>) offsets(%dma_start3A_10 : memref<104xi32, #tpu.memory_space<vmem>>) semaphore(%arg8 : memref<!tpu.dma_semaphore, #tpu.memory_space<semaphore_mem>>)
    %dma_start3A_14 = arith.constant 0 : i32
    %dma_start3A_15 = arith.constant 1 : i32
    %dma_start3A_16 = arith.constant 0 : i32
    %dma_start3A_17 = arith.constant 0 : i32
    %dma_start3A_18 = tpu.memref_slice %arg6[%dma_start3A_15, %dma_start3A_16, %dma_start3A_17] : memref<2x104x32xf32, #tpu.memory_space<vmem>> -> memref<1x96x32xf32, #tpu.memory_space<vmem>>
    %dma_start3A_19 = tpu.memref_squeeze %dma_start3A_18 : memref<1x96x32xf32, #tpu.memory_space<vmem>> -> memref<96x32xf32, #tpu.memory_space<vmem>>
    %dma_start3A_20 = arith.constant 104 : i32
    %dma_start3A_21 = tpu.memref_slice %arg5[%dma_start3A_14, %dma_start3A_20] : memref<128x200xi32, #tpu.memory_space<vmem>> -> memref<1x96xi32, #tpu.memory_space<vmem>>
    %dma_start3A_22 = tpu.memref_squeeze %dma_start3A_21 : memref<1x96xi32, #tpu.memory_space<vmem>> -> memref<96xi32, #tpu.memory_space<vmem>>
    %dma_start3A_23 = arith.constant 0 : i32
    %dma_start3A_24 = arith.constant 0 : i32
    %dma_start3A_25 = tpu.memref_slice %arg3[%dma_start3A_23, %dma_start3A_24] : memref<1015808x32xf32, #tpu.memory_space<hbm>> -> memref<1015808x32xf32, #tpu.memory_space<hbm>>
    tpu.enqueue_indirect_dma source(%dma_start3A_25 : memref<1015808x32xf32, #tpu.memory_space<hbm>>) target(%dma_start3A_19 : memref<96x32xf32, #tpu.memory_space<vmem>>) offsets(%dma_start3A_22 : memref<96xi32, #tpu.memory_space<vmem>>) semaphore(%arg9 : memref<!tpu.dma_semaphore, #tpu.memory_space<semaphore_mem>>)
    %scan3A = arith.constant 0 : i32
    %scan3A_26 = arith.constant 0 : i32
    %scan3A_27 = arith.constant 128 : i32
    %scan3A_28 = arith.addi %scan3A_26, %scan3A_27 : i32
    %scan3A_29 = arith.constant 1 : i32
    scf.for %scan3A_31 = %scan3A_26 to %scan3A_28 step %scan3A_29  : i32 {
      %broadcast_in_dim3A = arith.constant 0.000000e+00 : f32
      %broadcast_in_dim3A_32 = vector.broadcast %broadcast_in_dim3A : f32 to vector<16xf32>
      %dma_wait3A = arith.constant 0 : i32
      %dma_wait3A_33 = arith.constant 0 : i32
      %dma_wait3A_34 = arith.constant 0 : i32
      %dma_wait3A_35 = tpu.memref_slice %arg6[%dma_wait3A, %dma_wait3A_33, %dma_wait3A_34] : memref<2x104x32xf32, #tpu.memory_space<vmem>> -> memref<1x104x32xf32, #tpu.memory_space<vmem>>
      %dma_wait3A_36 = tpu.memref_squeeze %dma_wait3A_35 : memref<1x104x32xf32, #tpu.memory_space<vmem>> -> memref<104x32xf32, #tpu.memory_space<vmem>>
      %dma_wait3A_37 = arith.constant 0 : i32
      %dma_wait3A_38 = tpu.memref_slice %arg5[%scan3A_31, %dma_wait3A_37] : memref<128x200xi32, #tpu.memory_space<vmem>> -> memref<1x104xi32, #tpu.memory_space<vmem>>
      %dma_wait3A_39 = tpu.memref_squeeze %dma_wait3A_38 : memref<1x104xi32, #tpu.memory_space<vmem>> -> memref<104xi32, #tpu.memory_space<vmem>>
      %dma_wait3A_40 = arith.constant 0 : i32
      %dma_wait3A_41 = arith.constant 0 : i32
      %dma_wait3A_42 = tpu.memref_slice %arg3[%dma_wait3A_40, %dma_wait3A_41] : memref<1015808x32xf32, #tpu.memory_space<hbm>> -> memref<1015808x32xf32, #tpu.memory_space<hbm>>
      tpu.wait_indirect_dma semaphore(%arg8 : memref<!tpu.dma_semaphore, #tpu.memory_space<semaphore_mem>>) src(%dma_wait3A_42 : memref<1015808x32xf32, #tpu.memory_space<hbm>>) dst(%dma_wait3A_36 : memref<104x32xf32, #tpu.memory_space<vmem>>)
      %scan3A_43 = arith.constant 0 : i32
      %scan3A_44 = arith.constant 13 : i32
      %scan3A_45 = arith.addi %scan3A_43, %scan3A_44 : i32
      %scan3A_46 = arith.constant 1 : i32
      %scan3A_47:4 = scf.for %scan3A_84 = %scan3A_43 to %scan3A_45 step %scan3A_46 iter_args(%scan3A_85 = %broadcast_in_dim3A_32, %scan3A_86 = %broadcast_in_dim3A_32, %scan3A_87 = %broadcast_in_dim3A_32, %scan3A_88 = %broadcast_in_dim3A_32) -> (vector<16xf32>, vector<16xf32>, vector<16xf32>, vector<16xf32>)  : i32 {
        %mul3A_89 = arith.constant 8 : i32
        %mul3A_90 = arith.muli %scan3A_84, %mul3A_89 : i32
        %add3A_91 = arith.constant 0 : i32
        %add3A_92 = arith.addi %mul3A_90, %add3A_91 : i32
        %get3A = arith.constant 0 : i32
        %get3A_93 = arith.index_cast %get3A : i32 to index
        %get3A_94 = arith.index_cast %add3A_92 : i32 to index
        %get3A_95 = arith.constant 0 : index
        %get3A_96 = tpu.vector_load %arg6[%get3A_93, %get3A_94, %get3A_95] {strides = array<i32>} : memref<2x104x32xf32, #tpu.memory_space<vmem>>, vector<16xf32>,
        %bitcast3A = vector.bitcast %get3A_96 : vector<16xf32> to vector<32xbf16>
        %get3A_97 = arith.constant 0 : i32
        %get3A_98 = arith.index_cast %get3A_97 : i32 to index
        %get3A_99 = arith.index_cast %add3A_92 : i32 to index
        %get3A_100 = arith.constant 16 : index
        %get3A_101 = tpu.vector_load %arg6[%get3A_98, %get3A_99, %get3A_100] {strides = array<i32>} : memref<2x104x32xf32, #tpu.memory_space<vmem>>, vector<16xf32>,
        %bitcast3A_102 = vector.bitcast %get3A_101 : vector<16xf32> to vector<32xbf16>
        %unpack3A = tpu.unpack_subelements %bitcast3A, 0 {pack_format = #tpu.pack_format<interleaved>} : vector<32xbf16> -> vector<16xf32>
        %unpack3A_103 = tpu.unpack_subelements %bitcast3A, 1 {pack_format = #tpu.pack_format<interleaved>} : vector<32xbf16> -> vector<16xf32>
        %unpack3A_104 = tpu.unpack_subelements %bitcast3A_102, 0 {pack_format = #tpu.pack_format<interleaved>} : vector<32xbf16> -> vector<16xf32>
        %unpack3A_105 = tpu.unpack_subelements %bitcast3A_102, 1 {pack_format = #tpu.pack_format<interleaved>} : vector<32xbf16> -> vector<16xf32>
        %add3A_106 = arith.addf %scan3A_85, %unpack3A : vector<16xf32>
        %add3A_107 = arith.addf %scan3A_86, %unpack3A_104 : vector<16xf32>
        %add3A_108 = arith.addf %scan3A_87, %unpack3A_103 : vector<16xf32>
        %add3A_109 = arith.addf %scan3A_88, %unpack3A_105 : vector<16xf32>
        %mul3A_110 = arith.constant 8 : i32
        %mul3A_111 = arith.muli %scan3A_84, %mul3A_110 : i32
        %add3A_112 = arith.constant 1 : i32
        %add3A_113 = arith.addi %mul3A_111, %add3A_112 : i32
        %get3A_114 = arith.constant 0 : i32
        %get3A_115 = arith.index_cast %get3A_114 : i32 to index
        %get3A_116 = arith.index_cast %add3A_113 : i32 to index
        %get3A_117 = arith.constant 0 : index
        %get3A_118 = tpu.vector_load %arg6[%get3A_115, %get3A_116, %get3A_117] {strides = array<i32>} : memref<2x104x32xf32, #tpu.memory_space<vmem>>, vector<16xf32>,
        %bitcast3A_119 = vector.bitcast %get3A_118 : vector<16xf32> to vector<32xbf16>
        %get3A_120 = arith.constant 0 : i32
        %get3A_121 = arith.index_cast %get3A_120 : i32 to index
        %get3A_122 = arith.index_cast %add3A_113 : i32 to index
        %get3A_123 = arith.constant 16 : index
        %get3A_124 = tpu.vector_load %arg6[%get3A_121, %get3A_122, %get3A_123] {strides = array<i32>} : memref<2x104x32xf32, #tpu.memory_space<vmem>>, vector<16xf32>,
        %bitcast3A_125 = vector.bitcast %get3A_124 : vector<16xf32> to vector<32xbf16>
        %unpack3A_126 = tpu.unpack_subelements %bitcast3A_119, 0 {pack_format = #tpu.pack_format<interleaved>} : vector<32xbf16> -> vector<16xf32>
        %unpack3A_127 = tpu.unpack_subelements %bitcast3A_119, 1 {pack_format = #tpu.pack_format<interleaved>} : vector<32xbf16> -> vector<16xf32>
        %unpack3A_128 = tpu.unpack_subelements %bitcast3A_125, 0 {pack_format = #tpu.pack_format<interleaved>} : vector<32xbf16> -> vector<16xf32>
        %unpack3A_129 = tpu.unpack_subelements %bitcast3A_125, 1 {pack_format = #tpu.pack_format<interleaved>} : vector<32xbf16> -> vector<16xf32>
        %add3A_130 = arith.addf %add3A_106, %unpack3A_126 : vector<16xf32>
        %add3A_131 = arith.addf %add3A_107, %unpack3A_128 : vector<16xf32>
        %add3A_132 = arith.addf %add3A_108, %unpack3A_127 : vector<16xf32>
        %add3A_133 = arith.addf %add3A_109, %unpack3A_129 : vector<16xf32>
        %mul3A_134 = arith.constant 8 : i32
        %mul3A_135 = arith.muli %scan3A_84, %mul3A_134 : i32
        %add3A_136 = arith.constant 2 : i32
        %add3A_137 = arith.addi %mul3A_135, %add3A_136 : i32
        %get3A_138 = arith.constant 0 : i32
        %get3A_139 = arith.index_cast %get3A_138 : i32 to index
        %get3A_140 = arith.index_cast %add3A_137 : i32 to index
        %get3A_141 = arith.constant 0 : index
        %get3A_142 = tpu.vector_load %arg6[%get3A_139, %get3A_140, %get3A_141] {strides = array<i32>} : memref<2x104x32xf32, #tpu.memory_space<vmem>>, vector<16xf32>,
        %bitcast3A_143 = vector.bitcast %get3A_142 : vector<16xf32> to vector<32xbf16>
        %get3A_144 = arith.constant 0 : i32
        %get3A_145 = arith.index_cast %get3A_144 : i32 to index
        %get3A_146 = arith.index_cast %add3A_137 : i32 to index
        %get3A_147 = arith.constant 16 : index
        %get3A_148 = tpu.vector_load %arg6[%get3A_145, %get3A_146, %get3A_147] {strides = array<i32>} : memref<2x104x32xf32, #tpu.memory_space<vmem>>, vector<16xf32>,
        %bitcast3A_149 = vector.bitcast %get3A_148 : vector<16xf32> to vector<32xbf16>
        %unpack3A_150 = tpu.unpack_subelements %bitcast3A_143, 0 {pack_format = #tpu.pack_format<interleaved>} : vector<32xbf16> -> vector<16xf32>
        %unpack3A_151 = tpu.unpack_subelements %bitcast3A_143, 1 {pack_format = #tpu.pack_format<interleaved>} : vector<32xbf16> -> vector<16xf32>
        %unpack3A_152 = tpu.unpack_subelements %bitcast3A_149, 0 {pack_format = #tpu.pack_format<interleaved>} : vector<32xbf16> -> vector<16xf32>
        %unpack3A_153 = tpu.unpack_subelements %bitcast3A_149, 1 {pack_format = #tpu.pack_format<interleaved>} : vector<32xbf16> -> vector<16xf32>
        %add3A_154 = arith.addf %add3A_130, %unpack3A_150 : vector<16xf32>
        %add3A_155 = arith.addf %add3A_131, %unpack3A_152 : vector<16xf32>
        %add3A_156 = arith.addf %add3A_132, %unpack3A_151 : vector<16xf32>
        %add3A_157 = arith.addf %add3A_133, %unpack3A_153 : vector<16xf32>
        %mul3A_158 = arith.constant 8 : i32
        %mul3A_159 = arith.muli %scan3A_84, %mul3A_158 : i32
        %add3A_160 = arith.constant 3 : i32
        %add3A_161 = arith.addi %mul3A_159, %add3A_160 : i32
        %get3A_162 = arith.constant 0 : i32
        %get3A_163 = arith.index_cast %get3A_162 : i32 to index
        %get3A_164 = arith.index_cast %add3A_161 : i32 to index
        %get3A_165 = arith.constant 0 : index
        %get3A_166 = tpu.vector_load %arg6[%get3A_163, %get3A_164, %get3A_165] {strides = array<i32>} : memref<2x104x32xf32, #tpu.memory_space<vmem>>, vector<16xf32>,
        %bitcast3A_167 = vector.bitcast %get3A_166 : vector<16xf32> to vector<32xbf16>
        %get3A_168 = arith.constant 0 : i32
        %get3A_169 = arith.index_cast %get3A_168 : i32 to index
        %get3A_170 = arith.index_cast %add3A_161 : i32 to index
        %get3A_171 = arith.constant 16 : index
        %get3A_172 = tpu.vector_load %arg6[%get3A_169, %get3A_170, %get3A_171] {strides = array<i32>} : memref<2x104x32xf32, #tpu.memory_space<vmem>>, vector<16xf32>,
        %bitcast3A_173 = vector.bitcast %get3A_172 : vector<16xf32> to vector<32xbf16>
        %unpack3A_174 = tpu.unpack_subelements %bitcast3A_167, 0 {pack_format = #tpu.pack_format<interleaved>} : vector<32xbf16> -> vector<16xf32>
        %unpack3A_175 = tpu.unpack_subelements %bitcast3A_167, 1 {pack_format = #tpu.pack_format<interleaved>} : vector<32xbf16> -> vector<16xf32>
        %unpack3A_176 = tpu.unpack_subelements %bitcast3A_173, 0 {pack_format = #tpu.pack_format<interleaved>} : vector<32xbf16> -> vector<16xf32>
        %unpack3A_177 = tpu.unpack_subelements %bitcast3A_173, 1 {pack_format = #tpu.pack_format<interleaved>} : vector<32xbf16> -> vector<16xf32>
        %add3A_178 = arith.addf %add3A_154, %unpack3A_174 : vector<16xf32>
        %add3A_179 = arith.addf %add3A_155, %unpack3A_176 : vector<16xf32>
        %add3A_180 = arith.addf %add3A_156, %unpack3A_175 : vector<16xf32>
        %add3A_181 = arith.addf %add3A_157, %unpack3A_177 : vector<16xf32>
        %mul3A_182 = arith.constant 8 : i32
        %mul3A_183 = arith.muli %scan3A_84, %mul3A_182 : i32
        %add3A_184 = arith.constant 4 : i32
        %add3A_185 = arith.addi %mul3A_183, %add3A_184 : i32
        %get3A_186 = arith.constant 0 : i32
        %get3A_187 = arith.index_cast %get3A_186 : i32 to index
        %get3A_188 = arith.index_cast %add3A_185 : i32 to index
        %get3A_189 = arith.constant 0 : index
        %get3A_190 = tpu.vector_load %arg6[%get3A_187, %get3A_188, %get3A_189] {strides = array<i32>} : memref<2x104x32xf32, #tpu.memory_space<vmem>>, vector<16xf32>,
        %bitcast3A_191 = vector.bitcast %get3A_190 : vector<16xf32> to vector<32xbf16>
        %get3A_192 = arith.constant 0 : i32
        %get3A_193 = arith.index_cast %get3A_192 : i32 to index
        %get3A_194 = arith.index_cast %add3A_185 : i32 to index
        %get3A_195 = arith.constant 16 : index
        %get3A_196 = tpu.vector_load %arg6[%get3A_193, %get3A_194, %get3A_195] {strides = array<i32>} : memref<2x104x32xf32, #tpu.memory_space<vmem>>, vector<16xf32>,
        %bitcast3A_197 = vector.bitcast %get3A_196 : vector<16xf32> to vector<32xbf16>
        %unpack3A_198 = tpu.unpack_subelements %bitcast3A_191, 0 {pack_format = #tpu.pack_format<interleaved>} : vector<32xbf16> -> vector<16xf32>
        %unpack3A_199 = tpu.unpack_subelements %bitcast3A_191, 1 {pack_format = #tpu.pack_format<interleaved>} : vector<32xbf16> -> vector<16xf32>
        %unpack3A_200 = tpu.unpack_subelements %bitcast3A_197, 0 {pack_format = #tpu.pack_format<interleaved>} : vector<32xbf16> -> vector<16xf32>
        %unpack3A_201 = tpu.unpack_subelements %bitcast3A_197, 1 {pack_format = #tpu.pack_format<interleaved>} : vector<32xbf16> -> vector<16xf32>
        %add3A_202 = arith.addf %add3A_178, %unpack3A_198 : vector<16xf32>
        %add3A_203 = arith.addf %add3A_179, %unpack3A_200 : vector<16xf32>
        %add3A_204 = arith.addf %add3A_180, %unpack3A_199 : vector<16xf32>
        %add3A_205 = arith.addf %add3A_181, %unpack3A_201 : vector<16xf32>
        %mul3A_206 = arith.constant 8 : i32
        %mul3A_207 = arith.muli %scan3A_84, %mul3A_206 : i32
        %add3A_208 = arith.constant 5 : i32
        %add3A_209 = arith.addi %mul3A_207, %add3A_208 : i32
        %get3A_210 = arith.constant 0 : i32
        %get3A_211 = arith.index_cast %get3A_210 : i32 to index
        %get3A_212 = arith.index_cast %add3A_209 : i32 to index
        %get3A_213 = arith.constant 0 : index
        %get3A_214 = tpu.vector_load %arg6[%get3A_211, %get3A_212, %get3A_213] {strides = array<i32>} : memref<2x104x32xf32, #tpu.memory_space<vmem>>, vector<16xf32>,
        %bitcast3A_215 = vector.bitcast %get3A_214 : vector<16xf32> to vector<32xbf16>
        %get3A_216 = arith.constant 0 : i32
        %get3A_217 = arith.index_cast %get3A_216 : i32 to index
        %get3A_218 = arith.index_cast %add3A_209 : i32 to index
        %get3A_219 = arith.constant 16 : index
        %get3A_220 = tpu.vector_load %arg6[%get3A_217, %get3A_218, %get3A_219] {strides = array<i32>} : memref<2x104x32xf32, #tpu.memory_space<vmem>>, vector<16xf32>,
        %bitcast3A_221 = vector.bitcast %get3A_220 : vector<16xf32> to vector<32xbf16>
        %unpack3A_222 = tpu.unpack_subelements %bitcast3A_215, 0 {pack_format = #tpu.pack_format<interleaved>} : vector<32xbf16> -> vector<16xf32>
        %unpack3A_223 = tpu.unpack_subelements %bitcast3A_215, 1 {pack_format = #tpu.pack_format<interleaved>} : vector<32xbf16> -> vector<16xf32>
        %unpack3A_224 = tpu.unpack_subelements %bitcast3A_221, 0 {pack_format = #tpu.pack_format<interleaved>} : vector<32xbf16> -> vector<16xf32>
        %unpack3A_225 = tpu.unpack_subelements %bitcast3A_221, 1 {pack_format = #tpu.pack_format<interleaved>} : vector<32xbf16> -> vector<16xf32>
        %add3A_226 = arith.addf %add3A_202, %unpack3A_222 : vector<16xf32>
        %add3A_227 = arith.addf %add3A_203, %unpack3A_224 : vector<16xf32>
        %add3A_228 = arith.addf %add3A_204, %unpack3A_223 : vector<16xf32>
        %add3A_229 = arith.addf %add3A_205, %unpack3A_225 : vector<16xf32>
        %mul3A_230 = arith.constant 8 : i32
        %mul3A_231 = arith.muli %scan3A_84, %mul3A_230 : i32
        %add3A_232 = arith.constant 6 : i32
        %add3A_233 = arith.addi %mul3A_231, %add3A_232 : i32
        %get3A_234 = arith.constant 0 : i32
        %get3A_235 = arith.index_cast %get3A_234 : i32 to index
        %get3A_236 = arith.index_cast %add3A_233 : i32 to index
        %get3A_237 = arith.constant 0 : index
        %get3A_238 = tpu.vector_load %arg6[%get3A_235, %get3A_236, %get3A_237] {strides = array<i32>} : memref<2x104x32xf32, #tpu.memory_space<vmem>>, vector<16xf32>,
        %bitcast3A_239 = vector.bitcast %get3A_238 : vector<16xf32> to vector<32xbf16>
        %get3A_240 = arith.constant 0 : i32
        %get3A_241 = arith.index_cast %get3A_240 : i32 to index
        %get3A_242 = arith.index_cast %add3A_233 : i32 to index
        %get3A_243 = arith.constant 16 : index
        %get3A_244 = tpu.vector_load %arg6[%get3A_241, %get3A_242, %get3A_243] {strides = array<i32>} : memref<2x104x32xf32, #tpu.memory_space<vmem>>, vector<16xf32>,
        %bitcast3A_245 = vector.bitcast %get3A_244 : vector<16xf32> to vector<32xbf16>
        %unpack3A_246 = tpu.unpack_subelements %bitcast3A_239, 0 {pack_format = #tpu.pack_format<interleaved>} : vector<32xbf16> -> vector<16xf32>
        %unpack3A_247 = tpu.unpack_subelements %bitcast3A_239, 1 {pack_format = #tpu.pack_format<interleaved>} : vector<32xbf16> -> vector<16xf32>
        %unpack3A_248 = tpu.unpack_subelements %bitcast3A_245, 0 {pack_format = #tpu.pack_format<interleaved>} : vector<32xbf16> -> vector<16xf32>
        %unpack3A_249 = tpu.unpack_subelements %bitcast3A_245, 1 {pack_format = #tpu.pack_format<interleaved>} : vector<32xbf16> -> vector<16xf32>
        %add3A_250 = arith.addf %add3A_226, %unpack3A_246 : vector<16xf32>
        %add3A_251 = arith.addf %add3A_227, %unpack3A_248 : vector<16xf32>
        %add3A_252 = arith.addf %add3A_228, %unpack3A_247 : vector<16xf32>
        %add3A_253 = arith.addf %add3A_229, %unpack3A_249 : vector<16xf32>
        %mul3A_254 = arith.constant 8 : i32
        %mul3A_255 = arith.muli %scan3A_84, %mul3A_254 : i32
        %add3A_256 = arith.constant 7 : i32
        %add3A_257 = arith.addi %mul3A_255, %add3A_256 : i32
        %get3A_258 = arith.constant 0 : i32
        %get3A_259 = arith.index_cast %get3A_258 : i32 to index
        %get3A_260 = arith.index_cast %add3A_257 : i32 to index
        %get3A_261 = arith.constant 0 : index
        %get3A_262 = tpu.vector_load %arg6[%get3A_259, %get3A_260, %get3A_261] {strides = array<i32>} : memref<2x104x32xf32, #tpu.memory_space<vmem>>, vector<16xf32>,
        %bitcast3A_263 = vector.bitcast %get3A_262 : vector<16xf32> to vector<32xbf16>
        %get3A_264 = arith.constant 0 : i32
        %get3A_265 = arith.index_cast %get3A_264 : i32 to index
        %get3A_266 = arith.index_cast %add3A_257 : i32 to index
        %get3A_267 = arith.constant 16 : index
        %get3A_268 = tpu.vector_load %arg6[%get3A_265, %get3A_266, %get3A_267] {strides = array<i32>} : memref<2x104x32xf32, #tpu.memory_space<vmem>>, vector<16xf32>,
        %bitcast3A_269 = vector.bitcast %get3A_268 : vector<16xf32> to vector<32xbf16>
        %unpack3A_270 = tpu.unpack_subelements %bitcast3A_263, 0 {pack_format = #tpu.pack_format<interleaved>} : vector<32xbf16> -> vector<16xf32>
        %unpack3A_271 = tpu.unpack_subelements %bitcast3A_263, 1 {pack_format = #tpu.pack_format<interleaved>} : vector<32xbf16> -> vector<16xf32>
        %unpack3A_272 = tpu.unpack_subelements %bitcast3A_269, 0 {pack_format = #tpu.pack_format<interleaved>} : vector<32xbf16> -> vector<16xf32>
        %unpack3A_273 = tpu.unpack_subelements %bitcast3A_269, 1 {pack_format = #tpu.pack_format<interleaved>} : vector<32xbf16> -> vector<16xf32>
        %add3A_274 = arith.addf %add3A_250, %unpack3A_270 : vector<16xf32>
        %add3A_275 = arith.addf %add3A_251, %unpack3A_272 : vector<16xf32>
        %add3A_276 = arith.addf %add3A_252, %unpack3A_271 : vector<16xf32>
        %add3A_277 = arith.addf %add3A_253, %unpack3A_273 : vector<16xf32>
        scf.yield %add3A_274, %add3A_275, %add3A_276, %add3A_277 : vector<16xf32>, vector<16xf32>, vector<16xf32>, vector<16xf32>
      }
      %scan3A_48 = arith.constant 13 : i32
      %lt3A = arith.constant 127 : i32
      %lt3A_49 = arith.cmpi slt, %scan3A_31, %lt3A : i32
      %convert_element_type3A = arith.extui %lt3A_49 : i1 to i32
      %cond3A = arith.constant 0 : i32
      %cond3A_50 = arith.cmpi ne, %convert_element_type3A, %cond3A : i32
      scf.if %cond3A_50 {
        %add3A_84 = arith.constant 1 : i32
        %add3A_85 = arith.addi %scan3A_31, %add3A_84 : i32
        %dma_start3A_86 = arith.constant 0 : i32
        %dma_start3A_87 = arith.constant 0 : i32
        %dma_start3A_88 = arith.constant 0 : i32
        %dma_start3A_89 = tpu.memref_slice %arg6[%dma_start3A_86, %dma_start3A_87, %dma_start3A_88] : memref<2x104x32xf32, #tpu.memory_space<vmem>> -> memref<1x104x32xf32, #tpu.memory_space<vmem>>
        %dma_start3A_90 = tpu.memref_squeeze %dma_start3A_89 : memref<1x104x32xf32, #tpu.memory_space<vmem>> -> memref<104x32xf32, #tpu.memory_space<vmem>>
        %dma_start3A_91 = arith.constant 0 : i32
        %dma_start3A_92 = tpu.memref_slice %arg5[%add3A_85, %dma_start3A_91] : memref<128x200xi32, #tpu.memory_space<vmem>> -> memref<1x104xi32, #tpu.memory_space<vmem>>
        %dma_start3A_93 = tpu.memref_squeeze %dma_start3A_92 : memref<1x104xi32, #tpu.memory_space<vmem>> -> memref<104xi32, #tpu.memory_space<vmem>>
        %dma_start3A_94 = arith.constant 0 : i32
        %dma_start3A_95 = arith.constant 0 : i32
        %dma_start3A_96 = tpu.memref_slice %arg3[%dma_start3A_94, %dma_start3A_95] : memref<1015808x32xf32, #tpu.memory_space<hbm>> -> memref<1015808x32xf32, #tpu.memory_space<hbm>>
        tpu.enqueue_indirect_dma source(%dma_start3A_96 : memref<1015808x32xf32, #tpu.memory_space<hbm>>) target(%dma_start3A_90 : memref<104x32xf32, #tpu.memory_space<vmem>>) offsets(%dma_start3A_93 : memref<104xi32, #tpu.memory_space<vmem>>) semaphore(%arg8 : memref<!tpu.dma_semaphore, #tpu.memory_space<semaphore_mem>>)
      } else {
      }
      %dma_wait3A_51 = arith.constant 1 : i32
      %dma_wait3A_52 = arith.constant 0 : i32
      %dma_wait3A_53 = arith.constant 0 : i32
      %dma_wait3A_54 = tpu.memref_slice %arg6[%dma_wait3A_51, %dma_wait3A_52, %dma_wait3A_53] : memref<2x104x32xf32, #tpu.memory_space<vmem>> -> memref<1x96x32xf32, #tpu.memory_space<vmem>>
      %dma_wait3A_55 = tpu.memref_squeeze %dma_wait3A_54 : memref<1x96x32xf32, #tpu.memory_space<vmem>> -> memref<96x32xf32, #tpu.memory_space<vmem>>
      %dma_wait3A_56 = arith.constant 104 : i32
      %dma_wait3A_57 = tpu.memref_slice %arg5[%scan3A_31, %dma_wait3A_56] : memref<128x200xi32, #tpu.memory_space<vmem>> -> memref<1x96xi32, #tpu.memory_space<vmem>>
      %dma_wait3A_58 = tpu.memref_squeeze %dma_wait3A_57 : memref<1x96xi32, #tpu.memory_space<vmem>> -> memref<96xi32, #tpu.memory_space<vmem>>
      %dma_wait3A_59 = arith.constant 0 : i32
      %dma_wait3A_60 = arith.constant 0 : i32
      %dma_wait3A_61 = tpu.memref_slice %arg3[%dma_wait3A_59, %dma_wait3A_60] : memref<1015808x32xf32, #tpu.memory_space<hbm>> -> memref<1015808x32xf32, #tpu.memory_space<hbm>>
      tpu.wait_indirect_dma semaphore(%arg9 : memref<!tpu.dma_semaphore, #tpu.memory_space<semaphore_mem>>) src(%dma_wait3A_61 : memref<1015808x32xf32, #tpu.memory_space<hbm>>) dst(%dma_wait3A_55 : memref<96x32xf32, #tpu.memory_space<vmem>>)
      %scan3A_62 = arith.constant 0 : i32
      %scan3A_63 = arith.constant 12 : i32
      %scan3A_64 = arith.addi %scan3A_62, %scan3A_63 : i32
      %scan3A_65 = arith.constant 1 : i32
      %scan3A_66:4 = scf.for %scan3A_84 = %scan3A_62 to %scan3A_64 step %scan3A_65 iter_args(%scan3A_85 = %scan3A_47#0, %scan3A_86 = %scan3A_47#1, %scan3A_87 = %scan3A_47#2, %scan3A_88 = %scan3A_47#3) -> (vector<16xf32>, vector<16xf32>, vector<16xf32>, vector<16xf32>)  : i32 {
        %mul3A_89 = arith.constant 8 : i32
        %mul3A_90 = arith.muli %scan3A_84, %mul3A_89 : i32
        %add3A_91 = arith.constant 0 : i32
        %add3A_92 = arith.addi %mul3A_90, %add3A_91 : i32
        %get3A = arith.constant 1 : i32
        %get3A_93 = arith.index_cast %get3A : i32 to index
        %get3A_94 = arith.index_cast %add3A_92 : i32 to index
        %get3A_95 = arith.constant 0 : index
        %get3A_96 = tpu.vector_load %arg6[%get3A_93, %get3A_94, %get3A_95] {strides = array<i32>} : memref<2x104x32xf32, #tpu.memory_space<vmem>>, vector<16xf32>,
        %bitcast3A = vector.bitcast %get3A_96 : vector<16xf32> to vector<32xbf16>
        %get3A_97 = arith.constant 1 : i32
        %get3A_98 = arith.index_cast %get3A_97 : i32 to index
        %get3A_99 = arith.index_cast %add3A_92 : i32 to index
        %get3A_100 = arith.constant 16 : index
        %get3A_101 = tpu.vector_load %arg6[%get3A_98, %get3A_99, %get3A_100] {strides = array<i32>} : memref<2x104x32xf32, #tpu.memory_space<vmem>>, vector<16xf32>,
        %bitcast3A_102 = vector.bitcast %get3A_101 : vector<16xf32> to vector<32xbf16>
        %unpack3A = tpu.unpack_subelements %bitcast3A, 0 {pack_format = #tpu.pack_format<interleaved>} : vector<32xbf16> -> vector<16xf32>
        %unpack3A_103 = tpu.unpack_subelements %bitcast3A, 1 {pack_format = #tpu.pack_format<interleaved>} : vector<32xbf16> -> vector<16xf32>
        %unpack3A_104 = tpu.unpack_subelements %bitcast3A_102, 0 {pack_format = #tpu.pack_format<interleaved>} : vector<32xbf16> -> vector<16xf32>
        %unpack3A_105 = tpu.unpack_subelements %bitcast3A_102, 1 {pack_format = #tpu.pack_format<interleaved>} : vector<32xbf16> -> vector<16xf32>
        %add3A_106 = arith.addf %scan3A_85, %unpack3A : vector<16xf32>
        %add3A_107 = arith.addf %scan3A_86, %unpack3A_104 : vector<16xf32>
        %add3A_108 = arith.addf %scan3A_87, %unpack3A_103 : vector<16xf32>
        %add3A_109 = arith.addf %scan3A_88, %unpack3A_105 : vector<16xf32>
        %mul3A_110 = arith.constant 8 : i32
        %mul3A_111 = arith.muli %scan3A_84, %mul3A_110 : i32
        %add3A_112 = arith.constant 1 : i32
        %add3A_113 = arith.addi %mul3A_111, %add3A_112 : i32
        %get3A_114 = arith.constant 1 : i32
        %get3A_115 = arith.index_cast %get3A_114 : i32 to index
        %get3A_116 = arith.index_cast %add3A_113 : i32 to index
        %get3A_117 = arith.constant 0 : index
        %get3A_118 = tpu.vector_load %arg6[%get3A_115, %get3A_116, %get3A_117] {strides = array<i32>} : memref<2x104x32xf32, #tpu.memory_space<vmem>>, vector<16xf32>,
        %bitcast3A_119 = vector.bitcast %get3A_118 : vector<16xf32> to vector<32xbf16>
        %get3A_120 = arith.constant 1 : i32
        %get3A_121 = arith.index_cast %get3A_120 : i32 to index
        %get3A_122 = arith.index_cast %add3A_113 : i32 to index
        %get3A_123 = arith.constant 16 : index
        %get3A_124 = tpu.vector_load %arg6[%get3A_121, %get3A_122, %get3A_123] {strides = array<i32>} : memref<2x104x32xf32, #tpu.memory_space<vmem>>, vector<16xf32>,
        %bitcast3A_125 = vector.bitcast %get3A_124 : vector<16xf32> to vector<32xbf16>
        %unpack3A_126 = tpu.unpack_subelements %bitcast3A_119, 0 {pack_format = #tpu.pack_format<interleaved>} : vector<32xbf16> -> vector<16xf32>
        %unpack3A_127 = tpu.unpack_subelements %bitcast3A_119, 1 {pack_format = #tpu.pack_format<interleaved>} : vector<32xbf16> -> vector<16xf32>
        %unpack3A_128 = tpu.unpack_subelements %bitcast3A_125, 0 {pack_format = #tpu.pack_format<interleaved>} : vector<32xbf16> -> vector<16xf32>
        %unpack3A_129 = tpu.unpack_subelements %bitcast3A_125, 1 {pack_format = #tpu.pack_format<interleaved>} : vector<32xbf16> -> vector<16xf32>
        %add3A_130 = arith.addf %add3A_106, %unpack3A_126 : vector<16xf32>
        %add3A_131 = arith.addf %add3A_107, %unpack3A_128 : vector<16xf32>
        %add3A_132 = arith.addf %add3A_108, %unpack3A_127 : vector<16xf32>
        %add3A_133 = arith.addf %add3A_109, %unpack3A_129 : vector<16xf32>
        %mul3A_134 = arith.constant 8 : i32
        %mul3A_135 = arith.muli %scan3A_84, %mul3A_134 : i32
        %add3A_136 = arith.constant 2 : i32
        %add3A_137 = arith.addi %mul3A_135, %add3A_136 : i32
        %get3A_138 = arith.constant 1 : i32
        %get3A_139 = arith.index_cast %get3A_138 : i32 to index
        %get3A_140 = arith.index_cast %add3A_137 : i32 to index
        %get3A_141 = arith.constant 0 : index
        %get3A_142 = tpu.vector_load %arg6[%get3A_139, %get3A_140, %get3A_141] {strides = array<i32>} : memref<2x104x32xf32, #tpu.memory_space<vmem>>, vector<16xf32>,
        %bitcast3A_143 = vector.bitcast %get3A_142 : vector<16xf32> to vector<32xbf16>
        %get3A_144 = arith.constant 1 : i32
        %get3A_145 = arith.index_cast %get3A_144 : i32 to index
        %get3A_146 = arith.index_cast %add3A_137 : i32 to index
        %get3A_147 = arith.constant 16 : index
        %get3A_148 = tpu.vector_load %arg6[%get3A_145, %get3A_146, %get3A_147] {strides = array<i32>} : memref<2x104x32xf32, #tpu.memory_space<vmem>>, vector<16xf32>,
        %bitcast3A_149 = vector.bitcast %get3A_148 : vector<16xf32> to vector<32xbf16>
        %unpack3A_150 = tpu.unpack_subelements %bitcast3A_143, 0 {pack_format = #tpu.pack_format<interleaved>} : vector<32xbf16> -> vector<16xf32>
        %unpack3A_151 = tpu.unpack_subelements %bitcast3A_143, 1 {pack_format = #tpu.pack_format<interleaved>} : vector<32xbf16> -> vector<16xf32>
        %unpack3A_152 = tpu.unpack_subelements %bitcast3A_149, 0 {pack_format = #tpu.pack_format<interleaved>} : vector<32xbf16> -> vector<16xf32>
        %unpack3A_153 = tpu.unpack_subelements %bitcast3A_149, 1 {pack_format = #tpu.pack_format<interleaved>} : vector<32xbf16> -> vector<16xf32>
        %add3A_154 = arith.addf %add3A_130, %unpack3A_150 : vector<16xf32>
        %add3A_155 = arith.addf %add3A_131, %unpack3A_152 : vector<16xf32>
        %add3A_156 = arith.addf %add3A_132, %unpack3A_151 : vector<16xf32>
        %add3A_157 = arith.addf %add3A_133, %unpack3A_153 : vector<16xf32>
        %mul3A_158 = arith.constant 8 : i32
        %mul3A_159 = arith.muli %scan3A_84, %mul3A_158 : i32
        %add3A_160 = arith.constant 3 : i32
        %add3A_161 = arith.addi %mul3A_159, %add3A_160 : i32
        %get3A_162 = arith.constant 1 : i32
        %get3A_163 = arith.index_cast %get3A_162 : i32 to index
        %get3A_164 = arith.index_cast %add3A_161 : i32 to index
        %get3A_165 = arith.constant 0 : index
        %get3A_166 = tpu.vector_load %arg6[%get3A_163, %get3A_164, %get3A_165] {strides = array<i32>} : memref<2x104x32xf32, #tpu.memory_space<vmem>>, vector<16xf32>,
        %bitcast3A_167 = vector.bitcast %get3A_166 : vector<16xf32> to vector<32xbf16>
        %get3A_168 = arith.constant 1 : i32
        %get3A_169 = arith.index_cast %get3A_168 : i32 to index
        %get3A_170 = arith.index_cast %add3A_161 : i32 to index
        %get3A_171 = arith.constant 16 : index
        %get3A_172 = tpu.vector_load %arg6[%get3A_169, %get3A_170, %get3A_171] {strides = array<i32>} : memref<2x104x32xf32, #tpu.memory_space<vmem>>, vector<16xf32>,
        %bitcast3A_173 = vector.bitcast %get3A_172 : vector<16xf32> to vector<32xbf16>
        %unpack3A_174 = tpu.unpack_subelements %bitcast3A_167, 0 {pack_format = #tpu.pack_format<interleaved>} : vector<32xbf16> -> vector<16xf32>
        %unpack3A_175 = tpu.unpack_subelements %bitcast3A_167, 1 {pack_format = #tpu.pack_format<interleaved>} : vector<32xbf16> -> vector<16xf32>
        %unpack3A_176 = tpu.unpack_subelements %bitcast3A_173, 0 {pack_format = #tpu.pack_format<interleaved>} : vector<32xbf16> -> vector<16xf32>
        %unpack3A_177 = tpu.unpack_subelements %bitcast3A_173, 1 {pack_format = #tpu.pack_format<interleaved>} : vector<32xbf16> -> vector<16xf32>
        %add3A_178 = arith.addf %add3A_154, %unpack3A_174 : vector<16xf32>
        %add3A_179 = arith.addf %add3A_155, %unpack3A_176 : vector<16xf32>
        %add3A_180 = arith.addf %add3A_156, %unpack3A_175 : vector<16xf32>
        %add3A_181 = arith.addf %add3A_157, %unpack3A_177 : vector<16xf32>
        %mul3A_182 = arith.constant 8 : i32
        %mul3A_183 = arith.muli %scan3A_84, %mul3A_182 : i32
        %add3A_184 = arith.constant 4 : i32
        %add3A_185 = arith.addi %mul3A_183, %add3A_184 : i32
        %get3A_186 = arith.constant 1 : i32
        %get3A_187 = arith.index_cast %get3A_186 : i32 to index
        %get3A_188 = arith.index_cast %add3A_185 : i32 to index
        %get3A_189 = arith.constant 0 : index
        %get3A_190 = tpu.vector_load %arg6[%get3A_187, %get3A_188, %get3A_189] {strides = array<i32>} : memref<2x104x32xf32, #tpu.memory_space<vmem>>, vector<16xf32>,
        %bitcast3A_191 = vector.bitcast %get3A_190 : vector<16xf32> to vector<32xbf16>
        %get3A_192 = arith.constant 1 : i32
        %get3A_193 = arith.index_cast %get3A_192 : i32 to index
        %get3A_194 = arith.index_cast %add3A_185 : i32 to index
        %get3A_195 = arith.constant 16 : index
        %get3A_196 = tpu.vector_load %arg6[%get3A_193, %get3A_194, %get3A_195] {strides = array<i32>} : memref<2x104x32xf32, #tpu.memory_space<vmem>>, vector<16xf32>,
        %bitcast3A_197 = vector.bitcast %get3A_196 : vector<16xf32> to vector<32xbf16>
        %unpack3A_198 = tpu.unpack_subelements %bitcast3A_191, 0 {pack_format = #tpu.pack_format<interleaved>} : vector<32xbf16> -> vector<16xf32>
        %unpack3A_199 = tpu.unpack_subelements %bitcast3A_191, 1 {pack_format = #tpu.pack_format<interleaved>} : vector<32xbf16> -> vector<16xf32>
        %unpack3A_200 = tpu.unpack_subelements %bitcast3A_197, 0 {pack_format = #tpu.pack_format<interleaved>} : vector<32xbf16> -> vector<16xf32>
        %unpack3A_201 = tpu.unpack_subelements %bitcast3A_197, 1 {pack_format = #tpu.pack_format<interleaved>} : vector<32xbf16> -> vector<16xf32>
        %add3A_202 = arith.addf %add3A_178, %unpack3A_198 : vector<16xf32>
        %add3A_203 = arith.addf %add3A_179, %unpack3A_200 : vector<16xf32>
        %add3A_204 = arith.addf %add3A_180, %unpack3A_199 : vector<16xf32>
        %add3A_205 = arith.addf %add3A_181, %unpack3A_201 : vector<16xf32>
        %mul3A_206 = arith.constant 8 : i32
        %mul3A_207 = arith.muli %scan3A_84, %mul3A_206 : i32
        %add3A_208 = arith.constant 5 : i32
        %add3A_209 = arith.addi %mul3A_207, %add3A_208 : i32
        %get3A_210 = arith.constant 1 : i32
        %get3A_211 = arith.index_cast %get3A_210 : i32 to index
        %get3A_212 = arith.index_cast %add3A_209 : i32 to index
        %get3A_213 = arith.constant 0 : index
        %get3A_214 = tpu.vector_load %arg6[%get3A_211, %get3A_212, %get3A_213] {strides = array<i32>} : memref<2x104x32xf32, #tpu.memory_space<vmem>>, vector<16xf32>,
        %bitcast3A_215 = vector.bitcast %get3A_214 : vector<16xf32> to vector<32xbf16>
        %get3A_216 = arith.constant 1 : i32
        %get3A_217 = arith.index_cast %get3A_216 : i32 to index
        %get3A_218 = arith.index_cast %add3A_209 : i32 to index
        %get3A_219 = arith.constant 16 : index
        %get3A_220 = tpu.vector_load %arg6[%get3A_217, %get3A_218, %get3A_219] {strides = array<i32>} : memref<2x104x32xf32, #tpu.memory_space<vmem>>, vector<16xf32>,
        %bitcast3A_221 = vector.bitcast %get3A_220 : vector<16xf32> to vector<32xbf16>
        %unpack3A_222 = tpu.unpack_subelements %bitcast3A_215, 0 {pack_format = #tpu.pack_format<interleaved>} : vector<32xbf16> -> vector<16xf32>
        %unpack3A_223 = tpu.unpack_subelements %bitcast3A_215, 1 {pack_format = #tpu.pack_format<interleaved>} : vector<32xbf16> -> vector<16xf32>
        %unpack3A_224 = tpu.unpack_subelements %bitcast3A_221, 0 {pack_format = #tpu.pack_format<interleaved>} : vector<32xbf16> -> vector<16xf32>
        %unpack3A_225 = tpu.unpack_subelements %bitcast3A_221, 1 {pack_format = #tpu.pack_format<interleaved>} : vector<32xbf16> -> vector<16xf32>
        %add3A_226 = arith.addf %add3A_202, %unpack3A_222 : vector<16xf32>
        %add3A_227 = arith.addf %add3A_203, %unpack3A_224 : vector<16xf32>
        %add3A_228 = arith.addf %add3A_204, %unpack3A_223 : vector<16xf32>
        %add3A_229 = arith.addf %add3A_205, %unpack3A_225 : vector<16xf32>
        %mul3A_230 = arith.constant 8 : i32
        %mul3A_231 = arith.muli %scan3A_84, %mul3A_230 : i32
        %add3A_232 = arith.constant 6 : i32
        %add3A_233 = arith.addi %mul3A_231, %add3A_232 : i32
        %get3A_234 = arith.constant 1 : i32
        %get3A_235 = arith.index_cast %get3A_234 : i32 to index
        %get3A_236 = arith.index_cast %add3A_233 : i32 to index
        %get3A_237 = arith.constant 0 : index
        %get3A_238 = tpu.vector_load %arg6[%get3A_235, %get3A_236, %get3A_237] {strides = array<i32>} : memref<2x104x32xf32, #tpu.memory_space<vmem>>, vector<16xf32>,
        %bitcast3A_239 = vector.bitcast %get3A_238 : vector<16xf32> to vector<32xbf16>
        %get3A_240 = arith.constant 1 : i32
        %get3A_241 = arith.index_cast %get3A_240 : i32 to index
        %get3A_242 = arith.index_cast %add3A_233 : i32 to index
        %get3A_243 = arith.constant 16 : index
        %get3A_244 = tpu.vector_load %arg6[%get3A_241, %get3A_242, %get3A_243] {strides = array<i32>} : memref<2x104x32xf32, #tpu.memory_space<vmem>>, vector<16xf32>,
        %bitcast3A_245 = vector.bitcast %get3A_244 : vector<16xf32> to vector<32xbf16>
        %unpack3A_246 = tpu.unpack_subelements %bitcast3A_239, 0 {pack_format = #tpu.pack_format<interleaved>} : vector<32xbf16> -> vector<16xf32>
        %unpack3A_247 = tpu.unpack_subelements %bitcast3A_239, 1 {pack_format = #tpu.pack_format<interleaved>} : vector<32xbf16> -> vector<16xf32>
        %unpack3A_248 = tpu.unpack_subelements %bitcast3A_245, 0 {pack_format = #tpu.pack_format<interleaved>} : vector<32xbf16> -> vector<16xf32>
        %unpack3A_249 = tpu.unpack_subelements %bitcast3A_245, 1 {pack_format = #tpu.pack_format<interleaved>} : vector<32xbf16> -> vector<16xf32>
        %add3A_250 = arith.addf %add3A_226, %unpack3A_246 : vector<16xf32>
        %add3A_251 = arith.addf %add3A_227, %unpack3A_248 : vector<16xf32>
        %add3A_252 = arith.addf %add3A_228, %unpack3A_247 : vector<16xf32>
        %add3A_253 = arith.addf %add3A_229, %unpack3A_249 : vector<16xf32>
        %mul3A_254 = arith.constant 8 : i32
        %mul3A_255 = arith.muli %scan3A_84, %mul3A_254 : i32
        %add3A_256 = arith.constant 7 : i32
        %add3A_257 = arith.addi %mul3A_255, %add3A_256 : i32
        %get3A_258 = arith.constant 1 : i32
        %get3A_259 = arith.index_cast %get3A_258 : i32 to index
        %get3A_260 = arith.index_cast %add3A_257 : i32 to index
        %get3A_261 = arith.constant 0 : index
        %get3A_262 = tpu.vector_load %arg6[%get3A_259, %get3A_260, %get3A_261] {strides = array<i32>} : memref<2x104x32xf32, #tpu.memory_space<vmem>>, vector<16xf32>,
        %bitcast3A_263 = vector.bitcast %get3A_262 : vector<16xf32> to vector<32xbf16>
        %get3A_264 = arith.constant 1 : i32
        %get3A_265 = arith.index_cast %get3A_264 : i32 to index
        %get3A_266 = arith.index_cast %add3A_257 : i32 to index
        %get3A_267 = arith.constant 16 : index
        %get3A_268 = tpu.vector_load %arg6[%get3A_265, %get3A_266, %get3A_267] {strides = array<i32>} : memref<2x104x32xf32, #tpu.memory_space<vmem>>, vector<16xf32>,
        %bitcast3A_269 = vector.bitcast %get3A_268 : vector<16xf32> to vector<32xbf16>
        %unpack3A_270 = tpu.unpack_subelements %bitcast3A_263, 0 {pack_format = #tpu.pack_format<interleaved>} : vector<32xbf16> -> vector<16xf32>
        %unpack3A_271 = tpu.unpack_subelements %bitcast3A_263, 1 {pack_format = #tpu.pack_format<interleaved>} : vector<32xbf16> -> vector<16xf32>
        %unpack3A_272 = tpu.unpack_subelements %bitcast3A_269, 0 {pack_format = #tpu.pack_format<interleaved>} : vector<32xbf16> -> vector<16xf32>
        %unpack3A_273 = tpu.unpack_subelements %bitcast3A_269, 1 {pack_format = #tpu.pack_format<interleaved>} : vector<32xbf16> -> vector<16xf32>
        %add3A_274 = arith.addf %add3A_250, %unpack3A_270 : vector<16xf32>
        %add3A_275 = arith.addf %add3A_251, %unpack3A_272 : vector<16xf32>
        %add3A_276 = arith.addf %add3A_252, %unpack3A_271 : vector<16xf32>
        %add3A_277 = arith.addf %add3A_253, %unpack3A_273 : vector<16xf32>
        scf.yield %add3A_274, %add3A_275, %add3A_276, %add3A_277 : vector<16xf32>, vector<16xf32>, vector<16xf32>, vector<16xf32>
      }
      %scan3A_67 = arith.constant 12 : i32
      %lt3A_68 = arith.constant 127 : i32
      %lt3A_69 = arith.cmpi slt, %scan3A_31, %lt3A_68 : i32
      %convert_element_type3A_70 = arith.extui %lt3A_69 : i1 to i32
      %cond3A_71 = arith.constant 0 : i32
      %cond3A_72 = arith.cmpi ne, %convert_element_type3A_70, %cond3A_71 : i32
      scf.if %cond3A_72 {
        %add3A_84 = arith.constant 1 : i32
        %add3A_85 = arith.addi %scan3A_31, %add3A_84 : i32
        %dma_start3A_86 = arith.constant 1 : i32
        %dma_start3A_87 = arith.constant 0 : i32
        %dma_start3A_88 = arith.constant 0 : i32
        %dma_start3A_89 = tpu.memref_slice %arg6[%dma_start3A_86, %dma_start3A_87, %dma_start3A_88] : memref<2x104x32xf32, #tpu.memory_space<vmem>> -> memref<1x96x32xf32, #tpu.memory_space<vmem>>
        %dma_start3A_90 = tpu.memref_squeeze %dma_start3A_89 : memref<1x96x32xf32, #tpu.memory_space<vmem>> -> memref<96x32xf32, #tpu.memory_space<vmem>>
        %dma_start3A_91 = arith.constant 104 : i32
        %dma_start3A_92 = tpu.memref_slice %arg5[%add3A_85, %dma_start3A_91] : memref<128x200xi32, #tpu.memory_space<vmem>> -> memref<1x96xi32, #tpu.memory_space<vmem>>
        %dma_start3A_93 = tpu.memref_squeeze %dma_start3A_92 : memref<1x96xi32, #tpu.memory_space<vmem>> -> memref<96xi32, #tpu.memory_space<vmem>>
        %dma_start3A_94 = arith.constant 0 : i32
        %dma_start3A_95 = arith.constant 0 : i32
        %dma_start3A_96 = tpu.memref_slice %arg3[%dma_start3A_94, %dma_start3A_95] : memref<1015808x32xf32, #tpu.memory_space<hbm>> -> memref<1015808x32xf32, #tpu.memory_space<hbm>>
        tpu.enqueue_indirect_dma source(%dma_start3A_96 : memref<1015808x32xf32, #tpu.memory_space<hbm>>) target(%dma_start3A_90 : memref<96x32xf32, #tpu.memory_space<vmem>>) offsets(%dma_start3A_93 : memref<96xi32, #tpu.memory_space<vmem>>) semaphore(%arg9 : memref<!tpu.dma_semaphore, #tpu.memory_space<semaphore_mem>>)
      } else {
      }
      %swap3A = arith.index_cast %scan3A_31 : i32 to index
      %swap3A_73 = arith.constant 0 : index
      %swap3A_74 = tpu.vector_load %arg7[%swap3A, %swap3A_73] {strides = array<i32>} : memref<128x64xf32, #tpu.memory_space<vmem>>, vector<16xf32>,
      tpu.vector_store %arg7[%swap3A, %swap3A_73], %scan3A_66#0 {strides = array<i32>} : memref<128x64xf32, #tpu.memory_space<vmem>>, vector<16xf32>,
      %swap3A_75 = arith.index_cast %scan3A_31 : i32 to index
      %swap3A_76 = arith.constant 16 : index
      %swap3A_77 = tpu.vector_load %arg7[%swap3A_75, %swap3A_76] {strides = array<i32>} : memref<128x64xf32, #tpu.memory_space<vmem>>, vector<16xf32>,
      tpu.vector_store %arg7[%swap3A_75, %swap3A_76], %scan3A_66#1 {strides = array<i32>} : memref<128x64xf32, #tpu.memory_space<vmem>>, vector<16xf32>,
      %swap3A_78 = arith.index_cast %scan3A_31 : i32 to index
      %swap3A_79 = arith.constant 32 : index
      %swap3A_80 = tpu.vector_load %arg7[%swap3A_78, %swap3A_79] {strides = array<i32>} : memref<128x64xf32, #tpu.memory_space<vmem>>, vector<16xf32>,
      tpu.vector_store %arg7[%swap3A_78, %swap3A_79], %scan3A_66#2 {strides = array<i32>} : memref<128x64xf32, #tpu.memory_space<vmem>>, vector<16xf32>,
      %swap3A_81 = arith.index_cast %scan3A_31 : i32 to index
      %swap3A_82 = arith.constant 48 : index
      %swap3A_83 = tpu.vector_load %arg7[%swap3A_81, %swap3A_82] {strides = array<i32>} : memref<128x64xf32, #tpu.memory_space<vmem>>, vector<16xf32>,
      tpu.vector_store %arg7[%swap3A_81, %swap3A_82], %scan3A_66#3 {strides = array<i32>} : memref<128x64xf32, #tpu.memory_space<vmem>>, vector<16xf32>,
    }
    %scan3A_30 = arith.constant 128 : i32
    "tpu.region"() ({
      %run_scoped3A = tpu.sem_alloc : memref<!tpu.dma_semaphore, #tpu.memory_space<semaphore_mem>>
      %dma_start3A_31 = arith.constant 0 : i32
      %dma_start3A_32 = tpu.memref_slice %arg4[%mul3A_2, %dma_start3A_31] : memref<4096x64xf32, #tpu.memory_space<hbm>> -> memref<128x64xf32, #tpu.memory_space<hbm>>
      %dma_start3A_33 = arith.constant 0 : i32
      %dma_start3A_34 = tpu.memref_slice %arg4[%mul3A_2, %dma_start3A_33] : memref<4096x64xf32, #tpu.memory_space<hbm>> -> memref<128x64xf32, #tpu.memory_space<hbm>>
      tpu.enqueue_dma source(%arg7 : memref<128x64xf32, #tpu.memory_space<vmem>>) target(%dma_start3A_34 : memref<128x64xf32, #tpu.memory_space<hbm>>) target_semaphore(%run_scoped3A : memref<!tpu.dma_semaphore, #tpu.memory_space<semaphore_mem>>)
      %dma_wait3A = arith.constant 0 : i32
      %dma_wait3A_35 = tpu.memref_slice %arg4[%mul3A_2, %dma_wait3A] : memref<4096x64xf32, #tpu.memory_space<hbm>> -> memref<128x64xf32, #tpu.memory_space<hbm>>
      %dma_wait3A_36 = arith.constant 0 : i32
      %dma_wait3A_37 = tpu.memref_slice %arg4[%mul3A_2, %dma_wait3A_36] : memref<4096x64xf32, #tpu.memory_space<hbm>> -> memref<128x64xf32, #tpu.memory_space<hbm>>
      tpu.wait_dma2 semaphore(%run_scoped3A : memref<!tpu.dma_semaphore, #tpu.memory_space<semaphore_mem>>) src(%arg7 : memref<128x64xf32, #tpu.memory_space<vmem>>) dst(%dma_wait3A_37 : memref<128x64xf32, #tpu.memory_space<hbm>>)
      tpu.yield
    }) : () -> ()
    return
  }
}

</mosaic_0001>

<sc_bundles>
// kernel: cbow_pool_sc.3.cloned.1.call-start
scs
__scs_entry_jumppad:
0x0: {  	(pc) =	sbr.rel $0x88, $3  }
0x1: {  	(tag) =	ssettag $0x0;
	lr =	simm.s32 $0x1  }
0x2: {  	[smem:$0x3F9F] =	sst lr;
	_ =	strace $0xD0000000  }
0x3: {  	_ = 	snop  }
0x4: {  	_ = 	snop  }
0x5: {  	_ = 	snop  }
0x6: {  	_ = 	snop  }
0x7: {  	_ = 	snop  }
__scs_overlays_trampoline_lowered:
0x8: {  	[smem:$0x3FAE] =	sst s0  }
0x9: {  	[smem:$0x3FAF] =	sst s1  }
0xa: {  	[smem:$0x3FB0] =	sst s2  }
0xb: {  	[smem:$0x3FB1] =	sst s3  }
0xc: {  	[smem:$0x3FB2] =	sst s4  }
0xd: {  	[smem:$0x3FB3] =	sst s5  }
0xe: {  	[smem:$0x3FB4] =	sst s6  }
0xf: {  	[smem:$0x3FB5] =	sst s7  }
0x10: {  	[smem:$0x3FB6] =	sst s8  }
0x11: {  	[smem:$0x3FB7] =	sst s9;
	s0 =	simm.s32 @!p0 $0x0  }
0x12: {  	s1 =	sld [smem:$0x3F9D];
	s0 =	simm.s32 @p0 $0x1  }
0x13: {  	[smem:$0x3FB8] =	sst s0;
	s0 =	simm.s32 @!p1 $0x0  }
0x14: {  	s2 =	sld [smem:$0x3F9C];
	s0 =	simm.s32 @p1 $0x1  }
0x15: {  	[smem:$0x3FB9] =	sst s0;
	s0 =	simm.s32 @!p2 $0x0  }
0x16: {  	s3 =	sld [smem:$0x3FDB];
	s0 =	simm.s32 @p2 $0x1  }
0x17: {  	s4 =	simm.s32 $0x1BF5;
	[smem:$0x3FBB] =	sst s0  }
0x18: {  	s0 =	sld [smem:$0x3F9E];
	_ =	swait.ge [sflag:s4], $0x0  }
0x19: {  	s7 =	sld [smem:$0x3F9F]  }
0x1a: {  	s8 =	sadd.s32 $0xFFFFE003, lr  }
0x1b: {  	s9 =	sadd.s32 $0xFFFFFEF7, lr;
	s5 =	simm.s32 $0xFFFFFFFF;
	p2 =	slt.u32 s8, $0xFFFFF086  }
0x1c: {  	p1 =	slt.u32 s9, $0xF7A;
	s5 =	simm.s32 @!p2 $0x0  }
0x1d: {  	s5 =	simm.s32 @p1 $0x1;
	p0 =	seq.s32 s7, s2  }
0x1e: {  	s7 =	smul.u32 @!p0 $0xF7A, s2;
	p2 =	seq.s32 @!p0 s5, $0x0  }
0x1f: {  	s9 =	smul.u32 $0xF7A, s1;
	s8 =	simm.s32 @!p0 $0x1BF5;
	p2 =	por !p2, p0  }
0x20: {  	[sflag:s8] =	ssyncset.s32 @!p0 $0xFFFFF086;
	s6 =	sadd.s32 @!p0 s3, s7;
	s7 =	simm.s32 @!p0 $0x108  }
0x21: {  	s3 =	sadd.s32 s3, s9;
	s6 =	sadd.s32 @!p0 $0x88, s6;
	s7 =	simm.s32 @p2 $0x1082  }
0x22: {  	[simem:s7], [sflag:s8] =	dma.local @!p0 [hbm:s6], $0xF7A  }
0x23: {  	s9 =	sor.u32 $0xD0000000, s2;
	s6 =	simm.s32 $0x108;
	_ =	swait.ge @!p0 [sflag:s8], $0x0  }
0x24: {  	s3 =	sadd.s32 $0x88, s3;
	s6 =	simm.s32 @!p1 $0x1082;
	[sflag:s4] =	ssyncset.s32 $0xFFFFF086  }
0x25: {  	[simem:s6], [sflag:s4] =	dma.local [hbm:s3], $0xF7A  }
0x26: {  	[smem:$0x3F9F] =	sst s1;
	(tag) =	ssettag s2;
	_ =	strace s9  }
0x27: {  	s1 =	sld [smem:$0x3FAF]  }
0x28: {  	s2 =	sld [smem:$0x3FB0]  }
0x29: {  	s4 =	sld [smem:$0x3FB2]  }
0x2a: {  	p0 =	seq.s32 s5, $0x0;
	s5 =	sld [smem:$0x3FB3]  }
0x2b: {  	s6 =	sld [smem:$0x3FB4]  }
0x2c: {  	s7 =	sld [smem:$0x3FB5]  }
0x2d: {  	s3 =	simm.s32 $0x108;
	s8 =	sld [smem:$0x3FB6]  }
0x2e: {  	s3 =	simm.s32 @!p0 $0x1082;
	s9 =	sld [smem:$0x3FB7]  }
0x2f: {  	lr =	sadd.s32 s0, s3;
	s0 =	sld [smem:$0x3FAE]  }
0x30: {  	s3 =	sld [smem:$0x3FB1]  }
0x31: {  	[smem:$0x3FBA] =	sst s10  }
0x32: {  	s10 =	sld [smem:$0x3FB8];
	_ =	sdelay $0x3  }
0x33: {  	p0 =	seq.s32 s10, $0x1;
	s10 =	sld [smem:$0x3FBA];
	_ =	sdelay $0x3  }
0x34: {  	[smem:$0x3FBA] =	sst s10  }
0x35: {  	s10 =	sld [smem:$0x3FB9];
	_ =	sdelay $0x3  }
0x36: {  	p1 =	seq.s32 s10, $0x1;
	s10 =	sld [smem:$0x3FBA];
	_ =	sdelay $0x3  }
0x37: {  	[smem:$0x3FBA] =	sst s10  }
0x38: {  	s10 =	sld [smem:$0x3FBB]  }
0x39: {  	_ = 	snop;
	(pc) =	sbr.ind lr, $3  }
0x3a: {  	_ = 	snop  }
0x3b: {  	_ = 	snop  }
0x3c: {  	p2 =	seq.s32 s10, $0x1;
	s10 =	sld [smem:$0x3FBA]  }
0x3d: {  	_ =	shalt  }
0x3e: {  	_ =	shalt  }
0x3f: {  	_ =	shalt  }
0x40: {  	_ =	shalt  }
0x41: {  	_ =	shalt  }
0x42: {  	_ =	shalt  }
0x43: {  	_ =	shalt  }
0x44: {  	_ =	shalt  }
0x45: {  	_ =	shalt  }
0x46: {  	_ =	shalt  }
0x47: {  	_ =	shalt  }
0x48: {  	_ =	shalt  }
0x49: {  	_ =	shalt  }
0x4a: {  	_ =	shalt  }
0x4b: {  	_ =	shalt  }
0x4c: {  	_ =	shalt  }
0x4d: {  	_ =	shalt  }
0x4e: {  	_ =	shalt  }
0x4f: {  	_ =	shalt  }
0x50: {  	_ =	shalt  }
0x51: {  	_ =	shalt  }
0x52: {  	_ =	shalt  }
0x53: {  	_ =	shalt  }
0x54: {  	_ =	shalt  }
0x55: {  	_ =	shalt  }
0x56: {  	_ =	shalt  }
0x57: {  	_ =	shalt  }
0x58: {  	_ =	shalt  }
0x59: {  	_ =	shalt  }
0x5a: {  	_ =	shalt  }
0x5b: {  	_ =	shalt  }
0x5c: {  	_ =	shalt  }
0x5d: {  	_ =	shalt  }
0x5e: {  	_ =	shalt  }
0x5f: {  	_ =	shalt  }
0x60: {  	_ =	shalt  }
0x61: {  	_ =	shalt  }
0x62: {  	_ =	shalt  }
0x63: {  	_ =	shalt  }
0x64: {  	_ =	shalt  }
0x65: {  	_ =	shalt  }
0x66: {  	_ =	shalt  }
0x67: {  	_ =	shalt  }
0x68: {  	_ =	shalt  }
0x69: {  	_ =	shalt  }
0x6a: {  	_ =	shalt  }
0x6b: {  	_ =	shalt  }
0x6c: {  	_ =	shalt  }
0x6d: {  	_ =	shalt  }
0x6e: {  	_ =	shalt  }
0x6f: {  	_ =	shalt  }
0x70: {  	_ =	shalt  }
0x71: {  	_ =	shalt  }
0x72: {  	_ =	shalt  }
0x73: {  	_ =	shalt  }
0x74: {  	_ =	shalt  }
0x75: {  	_ =	shalt  }
0x76: {  	_ =	shalt  }
0x77: {  	_ =	shalt  }
0x78: {  	_ =	shalt  }
0x79: {  	_ =	shalt  }
0x7a: {  	_ =	shalt  }
0x7b: {  	_ =	shalt  }
0x7c: {  	_ =	shalt  }
0x7d: {  	_ =	shalt  }
0x7e: {  	_ =	shalt  }
0x7f: {  	_ =	shalt  }
0x80: {  	_ =	shalt  }
0x81: {  	_ =	shalt  }
0x82: {  	_ =	shalt  }
0x83: {  	_ =	shalt  }
0x84: {  	_ =	shalt  }
0x85: {  	_ =	shalt  }
0x86: {  	_ =	shalt  }
0x87: {  	_ =	shalt  }
.Lfunc_end0:
.L_simem_size_0:
called_computation_lowered:
.L_overlay_start_0:
0x88: {  	s2 =	sld [smem:$0x3FD9]  }
0x89: {  	s3 =	sld [smem:$0x3FFE];
	_ =	sdelay $0x1  }
0x8a: {  	s1 =	srdreg.scid  }
0x8b: {  	s0 =	sand.u32 $0x1, s1  }
0x8c: {  	s17 =	sshll.u32 s0, $0xA;
	s2 =	sadd.s32 s3, s2  }
0x8d: {  	s2 =	sadd.s32 s2, s17  }
0x8e: {  	[smem:$0x3FC6] =	sst s2  }
0x8f: {  	_ = 	snop  }
0x90: {  	s2 =	sld [smem:$0x3FD0];
	(tm) =	ssettm $0x1  }
0x91: {  	s18 =	sld [smem:$0x3FFB];
	_ =	sdelay $0x3  }
0x92: {  	_ =	strace s18  }
0x93: {  	s3 =	sld [smem:$0x3FFC];
	_ =	sdelay $0x3  }
0x94: {  	_ =	strace s3  }
0x95: {  	s3 =	sld [smem:$0x3FFD];
	_ =	sdelay $0x3  }
0x96: {  	_ =	strace s3  }
0x97: {  	_ =	strace $0x8FFFFFFF  }
0x98: {  	s19 =	sld [smem:$0x3FDB];
	_ =	sdelay $0x1  }
0x99: {  	s4 =	simm.s32 $_scs_section_size  }
0x9a: {  	s5 =	simm.s32 $_size__tile_overlayer_lowered;
	s6 =	simm.s32 $_tile_overlayer_lowered  }
0x9b: {  	s22 =	simm.s32 $0x1BFF;
	s21 =	sshll.u32 s6, $0x1;
	s3 =	sadd.s32 s4, s19  }
0x9c: {  	s7 =	simm.s32 $0x0;
	s20 =	sshll.u32 s5, $0x1;
	s5 =	sadd.s32 s21, s3  }
0x9d: {  	[timem:s7], [sflag:s22] =	dma.local [hbm:s5], s20  }
0x9e: {  	_ =	swait.ge [sflag:s22], s20  }
0x9f: {  	s4 =	ssub.s32 $0x0, s20;
	[sflag:s22] =	ssyncset.done $0x0  }
0xa0: {  	[sflag:s22] =	ssyncadd.s32 s4;
	_ =	sdelay $0x1  }
0xa1: {  	s23 =	simm.s32 $0x1B8B  }
0xa2: {  	_ =	swait.ge [sflag:s23], $0x1  }
0xa3: {  	[sflag:s23] =	ssyncset.done $0x0  }
0xa4: {  	s25 =	simm.s32 $0x1B8E;
	s24 =	sld [smem:$0x3FFE];
	[sflag:s23] =	ssyncadd.s32 $0xFFFFFFFF  }
0xa5: {  	s26 =	simm.s32 $execute0_lowered;
	[smem:$0x3FD2] =	sst s25  }
0xa6: {  	s5 =	sshll.u32 s26, $0x1;
	_ =	strace $0x80000046;
	[dreg:$0x1] =	wrdreg $0xFFFFFFFF  }
0xa7: {  	s28 =	simm.s32 $_size_execute0_lowered;
	s3 =	sadd.s32 s3, s5;
	[dreg:$0x0] =	wrdreg $0x0  }
0xa8: {  	s5 =	sshll.u32 s28, $0x1;
	[dreg:$0x2] =	wrdreg s3  }
0xa9: {  	[dreg:$0x3] =	wrdreg s5  }
0xaa: {  	[dreg:$0x4] =	wrdreg $0xC0  }
0xab: {  	_ =	task [dreg:s7], $0x5FFFF  }
0xac: {  	[dreg:$0x1] =	wrdreg $0xFFFFFFFF  }
0xad: {  	[dreg:$0x0] =	wrdreg $0x60  }
0xae: {  	[dreg:$0x2] =	wrdreg s24  }
0xaf: {  	[dreg:$0x3] =	wrdreg s2  }
0xb0: {  	[dreg:$0x4] =	wrdreg $0x9  }
0xb1: {  	_ =	task.clear_ibuf [dreg:s7], $0x5FFFF;
	_ =	strace $0x90000046  }
0xb2: {  	s29 =	simm.s32 $0x9;
	_ =	strace $0x80000048  }
0xb3: {  	_ =	swait.ge [sflag:s29], $0x1  }
0xb4: {  	[sflag:s29] =	ssyncadd.s32 $0xFFFFFFFF  }
0xb5: {  	_ =	strace $0x90000048  }
0xb6: {  	_ =	sfence  }
0xb7: {  	s30 =	sld [smem:$0x0];
	_ =	sdelay $0x2  }
0xb8: {  	s31 =	sshll.u32 s1, $0xD;
	s1 =	sshrl.u32 s1, $0x2  }
0xb9: {  	s3 =	sand.u32 $0x4000, s31;
	s1 =	sadd.s32 s1, s30  }
0xba: {  	s0 =	sor.u32 s3, s0;
	s1 =	sshll.u32 s1, $0x11  }
0xbb: {  	s0 =	sor.u32 s1, s0  }
0xbc: {  	s0 =	sadd.s32 $0x8F2B, s0  }
0xbd: {  	[sflag:s0] =	ssyncadd.remote.s32 $0x1  }
0xbe: {  	_ =	sfence.sel $0xFFFF  }
0xbf: {  	[dreg:$0x0] =	wrdreg $0xFFFFFFFF;
	(pc) =	sbr.abs _section_cstart, $3  }
0xc0: {  	[dreg:$0x1] =	wrdreg $0xFFFFFFFF  }
0xc1: {  	_ =	task.clear_ibuf [dreg:s7], $0x2FFFF;
	_ =	strace $0x9FFFFFFF  }
0xc2: {  	(tm) =	ssettm $0x7FFFFFFF  }
0xc3: {  	_ =	shalt  }
tec
execute0_lowered:
.L_overlay_start_1:
0x0: {  	(tag) =	ssettag $0x1  }
0x1: {  	s1 =	srdreg.scid;
	s4 =	rddreg [dreg:$0x0]  }
0x2: {  	s0 =	stileid.u32;
	s5 =	rddreg [dreg:$0x1]  }
0x3: {  	s10 =	simm.s32 $0x60;
	s11 =	simm.s32 $0x7100;
	s12 =	simm.s32 $0x1  }
0x4: {  	s13 =	simm.s32 $0x2;
	s14 =	simm.s32 $0x7E00;
	s15 =	simm.s32 $0x0  }
0x5: {  	s3 =	sand.u32 $0x1, s1;
	s31 =	sshll.u32 s0, $0x8;
	s1 =	rddreg [dreg:$0x2]  }
0x6: {  	s2 =	sshll.u32 s3, $0x7;
	s8 =	ssub.s32 $0x2, s3;
	s3 =	sadd.s32 $0xF80600, s4  }
0x7: {  	s6 =	sor.u32 s2, s31;
	s2 =	simm.s32 $0x0;
	s9 =	sshrl.u32 s8, $0x1  }
0x8: {  	s7 =	smul.u32 $0x19, s6;
	[smem:$0x7FF] =	sst s2;
	s8 =	ssub.s32 s8, s9  }
0x9: {  	s6 =	sshll.u32 s6, $0x3;
	s9 =	simm.s32 $0x6400;
	_ =	strace $0x80000047  }
0xa: {  	s5 =	sadd.s32 s5, s6;
	s6 =	smax.u32 s8, $0x1;
	s7 =	sadd.s32 s7, s4  }
0xb: {  	s8 =	simm.s32 $0x68;
	s4 =	sadd.s32 $0x600, s7;
	s7 =	simm.s32 $0x3  }
.LBB2_1:
0xc: {  	[tilespmem:s2], [sflag:$0x3] =	stream.linear.gather [hbm4b:s4+s2], $0x6400, $0x38;
	[tilespmem:$0x9E00] =	vst v63  }
0xd: {  	_ =	swait.ge [sflag:s7], $0x6400  }
0xe: {  	[sflag:s7] =	ssyncset.done $0x0  }
0xf: {  	[sflag:s7] =	ssyncadd.s32 $0xFFFF9C00  }
0x10: {  	[tilespmem:s9], [sflag:$0x1] =	stream.indirect.gather [hbm4b:s3+s8], $0x20, s2, s8, $0xb8;
	[tilespmem:$0x9E00] =	vst v63  }
0x11: {  	s16 =	simm.s32 $0x0  }
0x12: {  	[tilespmem:s11], [sflag:$0x2] =	stream.indirect.gather [hbm4b:s3+s10], $0x20, s8, s10, $0xb8;
	[tilespmem:$0x9E00] =	vst v63  }
.LBB2_2:
0x13: {  	_ =	swait.ge [sflag:s12], $0xD00  }
0x14: {  	[sflag:s12] =	ssyncset.done $0x0  }
0x15: {  	s18 =	simm.s32 $0x0;
	[sflag:s12] =	ssyncadd.s32 $0xFFFFF300  }
0x16: {  	v1 =	vld [tilespmem:s18+$0x64E0]  }
0x17: {  	v6 =	vld [tilespmem:s18+$0x64C0]  }
0x18: {  	v4 =	vld [tilespmem:s18+$0x64A0]  }
0x19: {  	v13 =	vld [tilespmem:s18+$0x6480]  }
0x1a: {  	v9 =	vld [tilespmem:s18+$0x6460]  }
0x1b: {  	v2 =	vld [tilespmem:s18+$0x6440]  }
0x1c: {  	v10 =	vld [tilespmem:s18+$0x6420]  }
0x1d: {  	v7 =	vimm.f32 $0.0e+00;
	v8 =	vimm.f32 $0.0e+00;
	v5 =	vimm.f32 $0.0e+00;
	v12 =	vld [tilespmem:s18+$0x6400]  }
0x1e: {  	s17 =	simm.s32 $0x400;
	v3 =	vimm.f32 $0.0e+00;
	v11 =	vld [tilespmem:s18+$0x6410];
	v0 =	vunpack.i.u.bf16.f32 v1;
	v1 =	vunpack.i.l.bf16.f32 v1  }
.LBB2_3:
0x1f: {  	p0 =	sne.s32 s17, $0x3000;
	v14 =	vunpack.i.u.bf16.f32 v4;
	v15 =	vunpack.i.u.bf16.f32 v6;
	v16 =	vunpack.i.l.bf16.f32 v6  }
0x20: {  	v17 =	vunpack.i.u.bf16.f32 v13;
	v13 =	vunpack.i.l.bf16.f32 v13;
	v18 =	vunpack.i.l.bf16.f32 v4;
	v6 =	vld [tilespmem:s18+$0x6430]  }
0x21: {  	v19 =	vunpack.i.u.bf16.f32 v9;
	v9 =	vunpack.i.l.bf16.f32 v9;
	v4 =	vunpack.i.u.bf16.f32 v2  }
0x22: {  	v2 =	vunpack.i.l.bf16.f32 v2;
	v20 =	vunpack.i.u.bf16.f32 v10;
	v10 =	vunpack.i.l.bf16.f32 v10;
	v21 =	vld [tilespmem:s18+$0x6450]  }
0x23: {  	v22 =	vunpack.i.u.bf16.f32 v12;
	v12 =	vunpack.i.l.bf16.f32 v12;
	v23 =	vunpack.i.l.bf16.f32 v11  }
0x24: {  	v11 =	vunpack.i.u.bf16.f32 v11;
	v7 =	vadd.f32 v12, v7;
	v8 =	vadd.f32 v23, v8;
	v12 =	vld [tilespmem:s18+$0x6470]  }
0x25: {  	v5 =	vadd.f32 v22, v5;
	v3 =	vadd.f32 v11, v3;
	v11 =	vunpack.i.l.bf16.f32 v6  }
0x26: {  	v6 =	vunpack.i.u.bf16.f32 v6;
	v7 =	vadd.f32 v10, v7;
	v8 =	vadd.f32 v11, v8;
	v10 =	vld [tilespmem:s18+$0x6490]  }
0x27: {  	v5 =	vadd.f32 v20, v5;
	v3 =	vadd.f32 v6, v3;
	v6 =	vunpack.i.l.bf16.f32 v21  }
0x28: {  	v11 =	vunpack.i.u.bf16.f32 v21;
	v2 =	vadd.f32 v2, v7;
	v6 =	vadd.f32 v6, v8;
	v7 =	vld [tilespmem:s18+$0x64B0]  }
0x29: {  	v4 =	vadd.f32 v4, v5;
	v3 =	vadd.f32 v11, v3;
	v5 =	vunpack.i.l.bf16.f32 v12  }
0x2a: {  	s19 =	sshra.s32 s17, $0x2;
	v8 =	vunpack.i.u.bf16.f32 v12;
	v2 =	vadd.f32 v9, v2;
	v5 =	vadd.f32 v5, v6;
	v11 =	vld [tilespmem:s18+$0x64D0]  }
0x2b: {  	v4 =	vadd.f32 v19, v4;
	v3 =	vadd.f32 v8, v3;
	v20 =	vld [tilespmem:s19+$0x64E0];
	v6 =	vunpack.i.l.bf16.f32 v10  }
0x2c: {  	v8 =	vunpack.i.u.bf16.f32 v10;
	v2 =	vadd.f32 v13, v2;
	v5 =	vadd.f32 v6, v5;
	v12 =	vld [tilespmem:s18+$0x64F0];
	s18 =	smov.u32 s19  }
0x2d: {  	v9 =	vadd.f32 v17, v4;
	v3 =	vadd.f32 v8, v3;
	v6 =	vld [tilespmem:s18+$0x64C0];
	v8 =	vunpack.i.l.bf16.f32 v7  }
0x2e: {  	v7 =	vunpack.i.u.bf16.f32 v7;
	v2 =	vadd.f32 v18, v2;
	v4 =	vld [tilespmem:s18+$0x64A0];
	v5 =	vadd.f32 v8, v5  }
0x2f: {  	v8 =	vadd.f32 v14, v9;
	v3 =	vadd.f32 v7, v3;
	v13 =	vld [tilespmem:s18+$0x6480];
	v7 =	vunpack.i.l.bf16.f32 v11  }
.Ltmp0:
0x30: {  	v10 =	vunpack.i.u.bf16.f32 v11;
	v11 =	vadd.f32 v16, v2;
	v9 =	vld [tilespmem:s18+$0x6460];
	v5 =	vadd.f32 v7, v5;
	(pc) =	sbr.rel @p0 .LBB2_3-.Ltmp0, $4  }
0x31: {  	v14 =	vadd.f32 v15, v8;
	v3 =	vadd.f32 v10, v3;
	v2 =	vld [tilespmem:s18+$0x6440];
	v8 =	vunpack.i.l.bf16.f32 v12  }
0x32: {  	v15 =	vunpack.i.u.bf16.f32 v12;
	v7 =	vadd.f32 v1, v11;
	v10 =	vld [tilespmem:s18+$0x6420];
	v8 =	vadd.f32 v8, v5  }
0x33: {  	v5 =	vadd.f32 v0, v14;
	v3 =	vadd.f32 v15, v3;
	v12 =	vld [tilespmem:s18+$0x6400]  }
0x34: {  	s17 =	sadd.s32 $0x400, s17;
	v1 =	vunpack.i.l.bf16.f32 v20;
	v0 =	vunpack.i.u.bf16.f32 v20;
	v11 =	vld [tilespmem:s18+$0x6410]  }
0x35: {  	v14 =	vunpack.i.u.bf16.f32 v4  }
0x36: {  	v15 =	vunpack.i.u.bf16.f32 v6;
	v6 =	vunpack.i.l.bf16.f32 v6;
	v16 =	vunpack.i.u.bf16.f32 v13  }
0x37: {  	v17 =	vld [tilespmem:s18+$0x6430];
	v13 =	vunpack.i.l.bf16.f32 v13;
	v4 =	vunpack.i.l.bf16.f32 v4;
	v19 =	vunpack.i.u.bf16.f32 v9  }
0x38: {  	v9 =	vunpack.i.l.bf16.f32 v9;
	v20 =	vld [tilespmem:s18+$0x6450];
	v18 =	vunpack.i.u.bf16.f32 v2;
	v2 =	vunpack.i.l.bf16.f32 v2  }
0x39: {  	v60 =	vld [tilespmem:s18+$0x6470];
	p0 =	seq.s32 s16, $0x7F;
	v22 =	vunpack.i.u.bf16.f32 v10;
	v10 =	vunpack.i.l.bf16.f32 v10;
	v21 =	vunpack.i.l.bf16.f32 v12  }
0x3a: {  	v61 =	vld [tilespmem:s18+$0x6490];
	s17 =	smul.u32 @!p0 $0x320, s16;
	v12 =	vunpack.i.u.bf16.f32 v12;
	v23 =	vunpack.i.l.bf16.f32 v11;
	v7 =	vadd.f32 v21, v7  }
0x3b: {  	v11 =	vunpack.i.u.bf16.f32 v11;
	v5 =	vadd.f32 v12, v5;
	v12 =	vld [tilespmem:s18+$0x64B0];
	v8 =	vadd.f32 v23, v8  }
0x3c: {  	s17 =	sshra.s32 @!p0 s17, $0x2;
	v3 =	vadd.f32 v11, v3;
	v11 =	vunpack.i.l.bf16.f32 v17;
	v7 =	vadd.f32 v10, v7;
	v10 =	vld [tilespmem:s18+$0x64D0]  }
0x3d: {  	s19 =	simm.s32 @!p0 $0x68;
	s20 =	simm.s32 @!p0 $0x6400;
	v17 =	vunpack.i.u.bf16.f32 v17;
	v5 =	vadd.f32 v22, v5;
	v8 =	vadd.f32 v11, v8;
	v11 =	vld [tilespmem:s18+$0x64F0];
	s18 =	sadd.s32 @!p0 $0xC8, s17  }
0x3e: {  	v62 =	vunpack.i.l.bf16.f32 v20;
	v3 =	vadd.f32 v17, v3;
	v2 =	vadd.f32 v2, v7;
	[tilespmem:s20], [sflag:$0x1] =	stream.indirect.gather @!p0 [hbm4b:s3+s19], $0x20, s18, s19, $0xb8;
	[tilespmem:$0x9E00] =	vst v63  }
0x3f: {  	v7 =	vunpack.i.u.bf16.f32 v20;
	v5 =	vadd.f32 v18, v5;
	v8 =	vadd.f32 v62, v8;
	_ =	swait.ge [sflag:s13], $0xC00  }
0x40: {  	v3 =	vadd.f32 v7, v3;
	v7 =	vunpack.i.l.bf16.f32 v60;
	v2 =	vadd.f32 v9, v2;
	[sflag:s13] =	ssyncset.done $0x0  }
0x41: {  	s18 =	simm.s32 $0x0;
	v9 =	vunpack.i.u.bf16.f32 v60;
	v5 =	vadd.f32 v19, v5;
	v7 =	vadd.f32 v7, v8;
	[sflag:s13] =	ssyncadd.s32 $0xFFFFF400  }
0x42: {  	v8 =	vadd.f32 v9, v3;
	v3 =	vunpack.i.l.bf16.f32 v61;
	v2 =	vadd.f32 v13, v2;
	v63 =	vld [tilespmem:s18+$0x71E0]  }
0x43: {  	v9 =	vunpack.i.u.bf16.f32 v61;
	v5 =	vadd.f32 v16, v5;
	v7 =	vadd.f32 v3, v7;
	v3 =	vld [tilespmem:s18+$0x71C0]  }
0x44: {  	v8 =	vadd.f32 v9, v8;
	v9 =	vunpack.i.l.bf16.f32 v12;
	v4 =	vadd.f32 v4, v2;
	v2 =	vld [tilespmem:s18+$0x71A0]  }
0x45: {  	v12 =	vunpack.i.u.bf16.f32 v12;
	v5 =	vadd.f32 v14, v5;
	v9 =	vadd.f32 v9, v7;
	v7 =	vld [tilespmem:s18+$0x7180]  }
0x46: {  	v13 =	vunpack.i.l.bf16.f32 v10;
	v12 =	vadd.f32 v12, v8;
	v8 =	vld [tilespmem:s18+$0x7160];
	v4 =	vadd.f32 v6, v4  }
0x47: {  	v6 =	vunpack.i.u.bf16.f32 v10;
	v10 =	vadd.f32 v13, v9;
	v13 =	vadd.f32 v15, v5;
	v5 =	vld [tilespmem:s18+$0x7140]  }
0x48: {  	v14 =	vadd.f32 v6, v12;
	v6 =	vunpack.i.l.bf16.f32 v11;
	v12 =	vld [tilespmem:s18+$0x7120];
	v9 =	vadd.f32 v1, v4  }
0x49: {  	v1 =	vunpack.i.u.bf16.f32 v11;
	v11 =	vld [tilespmem:s18+$0x7100];
	v10 =	vadd.f32 v6, v10;
	v6 =	vadd.f32 v0, v13  }
0x4a: {  	s19 =	simm.s32 $0x400;
	v4 =	vadd.f32 v1, v14;
	v13 =	vld [tilespmem:s18+$0x7110];
	v0 =	vunpack.i.u.bf16.f32 v63;
	v1 =	vunpack.i.l.bf16.f32 v63  }
.LBB2_5:
0x4b: {  	p1 =	sne.s32 s19, $0x2C00;
	v14 =	vunpack.i.u.bf16.f32 v2;
	v15 =	vunpack.i.u.bf16.f32 v3;
	v16 =	vunpack.i.l.bf16.f32 v3  }
0x4c: {  	v17 =	vunpack.i.u.bf16.f32 v7;
	v7 =	vunpack.i.l.bf16.f32 v7;
	v18 =	vunpack.i.l.bf16.f32 v2;
	v3 =	vld [tilespmem:s18+$0x7130]  }
0x4d: {  	v19 =	vunpack.i.u.bf16.f32 v8;
	v8 =	vunpack.i.l.bf16.f32 v8;
	v2 =	vunpack.i.u.bf16.f32 v5  }
0x4e: {  	v5 =	vunpack.i.l.bf16.f32 v5;
	v20 =	vunpack.i.u.bf16.f32 v12;
	v12 =	vunpack.i.l.bf16.f32 v12;
	v21 =	vld [tilespmem:s18+$0x7150]  }
0x4f: {  	v22 =	vunpack.i.u.bf16.f32 v11;
	v11 =	vunpack.i.l.bf16.f32 v11;
	v23 =	vunpack.i.l.bf16.f32 v13  }
0x50: {  	v13 =	vunpack.i.u.bf16.f32 v13;
	v9 =	vadd.f32 v11, v9;
	v10 =	vadd.f32 v23, v10;
	v11 =	vld [tilespmem:s18+$0x7170]  }
0x51: {  	v6 =	vadd.f32 v22, v6;
	v4 =	vadd.f32 v13, v4;
	v13 =	vunpack.i.l.bf16.f32 v3  }
0x52: {  	v3 =	vunpack.i.u.bf16.f32 v3;
	v9 =	vadd.f32 v12, v9;
	v10 =	vadd.f32 v13, v10;
	v12 =	vld [tilespmem:s18+$0x7190]  }
0x53: {  	v6 =	vadd.f32 v20, v6;
	v3 =	vadd.f32 v3, v4;
	v4 =	vunpack.i.l.bf16.f32 v21  }
0x54: {  	v13 =	vunpack.i.u.bf16.f32 v21;
	v5 =	vadd.f32 v5, v9;
	v4 =	vadd.f32 v4, v10;
	v9 =	vld [tilespmem:s18+$0x71B0]  }
0x55: {  	v2 =	vadd.f32 v2, v6;
	v3 =	vadd.f32 v13, v3;
	v6 =	vunpack.i.l.bf16.f32 v11  }
0x56: {  	s20 =	sshra.s32 s19, $0x2;
	v10 =	vunpack.i.u.bf16.f32 v11;
	v5 =	vadd.f32 v8, v5;
	v4 =	vadd.f32 v6, v4;
	v6 =	vld [tilespmem:s18+$0x71D0]  }
0x57: {  	v2 =	vadd.f32 v19, v2;
	v8 =	vadd.f32 v10, v3;
	v20 =	vld [tilespmem:s20+$0x71E0];
	v3 =	vunpack.i.l.bf16.f32 v12  }
0x58: {  	v10 =	vunpack.i.u.bf16.f32 v12;
	v5 =	vadd.f32 v7, v5;
	v4 =	vadd.f32 v3, v4;
	v11 =	vld [tilespmem:s18+$0x71F0];
	s18 =	smov.u32 s20  }
0x59: {  	v12 =	vadd.f32 v17, v2;
	v8 =	vadd.f32 v10, v8;
	v3 =	vld [tilespmem:s18+$0x71C0];
	v7 =	vunpack.i.l.bf16.f32 v9  }
0x5a: {  	v9 =	vunpack.i.u.bf16.f32 v9;
	v5 =	vadd.f32 v18, v5;
	v2 =	vld [tilespmem:s18+$0x71A0];
	v4 =	vadd.f32 v7, v4  }
0x5b: {  	v10 =	vadd.f32 v14, v12;
	v9 =	vadd.f32 v9, v8;
	v7 =	vld [tilespmem:s18+$0x7180];
	v12 =	vunpack.i.l.bf16.f32 v6  }
.Ltmp1:
0x5c: {  	v6 =	vunpack.i.u.bf16.f32 v6;
	v13 =	vadd.f32 v16, v5;
	v8 =	vld [tilespmem:s18+$0x7160];
	v4 =	vadd.f32 v12, v4;
	(pc) =	sbr.rel @p1 .LBB2_5-.Ltmp1, $4  }
0x5d: {  	v14 =	vadd.f32 v15, v10;
	v15 =	vadd.f32 v6, v9;
	v5 =	vld [tilespmem:s18+$0x7140];
	v6 =	vunpack.i.l.bf16.f32 v11  }
0x5e: {  	v16 =	vunpack.i.u.bf16.f32 v11;
	v9 =	vadd.f32 v1, v13;
	v12 =	vld [tilespmem:s18+$0x7120];
	v10 =	vadd.f32 v6, v4  }
0x5f: {  	v6 =	vadd.f32 v0, v14;
	v4 =	vadd.f32 v16, v15;
	v11 =	vld [tilespmem:s18+$0x7100]  }
0x60: {  	s19 =	sadd.s32 $0x400, s19;
	v1 =	vunpack.i.l.bf16.f32 v20;
	v0 =	vunpack.i.u.bf16.f32 v20;
	v13 =	vld [tilespmem:s18+$0x7110]  }
0x61: {  	v14 =	vunpack.i.u.bf16.f32 v2;
	v15 =	vunpack.i.u.bf16.f32 v3  }
0x62: {  	v29 =	vunpack.i.l.bf16.f32 v3;
	v17 =	vunpack.i.u.bf16.f32 v7;
	v30 =	vunpack.i.l.bf16.f32 v7  }
0x63: {  	v16 =	vld [tilespmem:s18+$0x7130];
	v31 =	vunpack.i.l.bf16.f32 v2;
	v19 =	vunpack.i.u.bf16.f32 v8;
	v32 =	vunpack.i.l.bf16.f32 v8  }
0x64: {  	v18 =	vunpack.i.u.bf16.f32 v5;
	v34 =	vunpack.i.l.bf16.f32 v5;
	v22 =	vunpack.i.l.bf16.f32 v11  }
0x65: {  	v21 =	vld [tilespmem:s18+$0x7150];
	v20 =	vunpack.i.u.bf16.f32 v12;
	v35 =	vunpack.i.u.bf16.f32 v11;
	v9 =	vadd.f32 v22, v9  }
0x66: {  	v33 =	vunpack.i.l.bf16.f32 v12;
	v23 =	vunpack.i.l.bf16.f32 v13;
	v6 =	vadd.f32 v35, v6  }
0x67: {  	v37 =	vld [tilespmem:s18+$0x7170];
	v36 =	vunpack.i.u.bf16.f32 v13;
	v10 =	vadd.f32 v23, v10;
	v9 =	vadd.f32 v33, v9  }
0x68: {  	v38 =	vunpack.i.l.bf16.f32 v16;
	v4 =	vadd.f32 v36, v4;
	v6 =	vadd.f32 v20, v6  }
0x69: {  	v40 =	vld [tilespmem:s18+$0x7190];
	v39 =	vunpack.i.u.bf16.f32 v16;
	v10 =	vadd.f32 v38, v10;
	v5 =	vadd.f32 v34, v9  }
0x6a: {  	v41 =	vunpack.i.l.bf16.f32 v21;
	v4 =	vadd.f32 v39, v4;
	v6 =	vadd.f32 v18, v6  }
0x6b: {  	v43 =	vld [tilespmem:s18+$0x71B0];
	v42 =	vunpack.i.u.bf16.f32 v21;
	v10 =	vadd.f32 v41, v10;
	v5 =	vadd.f32 v32, v5  }
0x6c: {  	v44 =	vunpack.i.l.bf16.f32 v37;
	v4 =	vadd.f32 v42, v4;
	v6 =	vadd.f32 v19, v6  }
0x6d: {  	v47 =	vld [tilespmem:s18+$0x71D0];
	v45 =	vunpack.i.u.bf16.f32 v37;
	v46 =	vadd.f32 v44, v10;
	v5 =	vadd.f32 v30, v5  }
0x6e: {  	v48 =	vunpack.i.l.bf16.f32 v40;
	v4 =	vadd.f32 v45, v4;
	v6 =	vadd.f32 v17, v6  }
0x6f: {  	v51 =	vld [tilespmem:s18+$0x71F0];
	v49 =	vunpack.i.u.bf16.f32 v40;
	v50 =	vadd.f32 v48, v46;
	v2 =	vadd.f32 v31, v5  }
0x70: {  	s17 =	sadd.s32 @!p0 $0x130, s17;
	s18 =	simm.s32 @!p0 $0x60;
	v52 =	vunpack.i.l.bf16.f32 v43;
	v4 =	vadd.f32 v49, v4;
	v6 =	vadd.f32 v14, v6  }
0x71: {  	s19 =	simm.s32 @!p0 $0x7100;
	s31 =	sshll.u32 s16, $0x6;
	s16 =	sadd.s32 $0x1, s16;
	v53 =	vunpack.i.u.bf16.f32 v43;
	v54 =	vadd.f32 v52, v50;
	v2 =	vadd.f32 v29, v2  }
0x72: {  	[tilespmem:s19], [sflag:$0x2] =	stream.indirect.gather @!p0 [hbm4b:s3+s18], $0x20, s17, s18, $0xb8;
	v55 =	vunpack.i.l.bf16.f32 v47;
	v56 =	vadd.f32 v53, v4;
	v6 =	vadd.f32 v15, v6;
	[tilespmem:$0x9E00] =	vst v63  }
0x73: {  	p0 =	sne.s32 s16, $0x80;
	v57 =	vunpack.i.u.bf16.f32 v47;
	v58 =	vadd.f32 v55, v54;
	v1 =	vadd.f32 v1, v2  }
.Ltmp2:
0x74: {  	s17 =	sand.u32 $0x3FFFFFC0, s31;
	v59 =	vunpack.i.l.bf16.f32 v51;
	v60 =	vadd.f32 v57, v56;
	v0 =	vadd.f32 v0, v6;
	(pc) =	sbr.rel @p0 .LBB2_2-.Ltmp2, $4  }
0x75: {  	v62 =	vunpack.i.u.bf16.f32 v51;
	v61 =	vadd.f32 v59, v58;
	[tilespmem:s17+$0x7E00] =	vst v1  }
0x76: {  	v63 =	vadd.f32 v62, v60;
	[tilespmem:s17+$0x7E20] =	vst v0  }
0x77: {  	[tilespmem:s17+$0x7E10] =	vst v61  }
0x78: {  	[tilespmem:s17+$0x7E30] =	vst v63  }
0x79: {  	s15 =	sadd.s32 $0x1, s15  }
0x7a: {  	p0 =	sne.s32 s15, s6  }
.Ltmp3:
0x7b: {  	_ = 	snop;
	(pc) =	sbr.rel @p0 .LBB2_1-.Ltmp3, $4  }
0x7c: {  	[hbm4b:s5+s2] =	stream.linear.scatter [tilespmem:s14], [sflag:$0x3], $0x2000, $0x38;
	[tilespmem:$0x9E00] =	vst v63  }
0x7d: {  	_ =	swait.ge [sflag:s7], $0x2000  }
0x7e: {  	[sflag:s7] =	ssyncset.done $0x0  }
0x7f: {  	[sflag:s7] =	ssyncadd.s32 $0xFFFFE000  }
0x80: {  	_ =	sfence.sel $0x180000  }
0x81: {  	[bflag:$0x0] =	sbarrier.arrive $0xFFFF  }
0x82: {  	p0 =	sne.s32 s0, $0x0;
	_ =	strace $0x90000047  }
0x83: {  	s0 =	sadd.s32 @!p0 $0x100000, s1;
	[bflag:$0x2] =	sbarrier.arrive $0xFFFF  }
0x84: {  	[sflag:s0] =	ssyncadd.tile.s32 @!p0 $0x1;
	_ =	shalt  }
.Lfunc_end2:
_tile_overlayer_lowered:
.L_overlay_start_2:
0x85: {  	(tag) =	ssettag $0x2  }
0x86: {  	s0 =	rddreg [dreg:$0x0];
	s2 =	stileid.u32  }
0x87: {  	s1 =	rddreg [dreg:$0x1];
	p0 =	sne.s32 s2, $0x0  }
0x88: {  	s3 =	rddreg [dreg:$0x2];
	[bflag:$0x3] =	sbarrier.arrive $0xFFFF;
	s2 =	simm.s32 @!p0 $0x1C03  }
0x89: {  	[timem:s3], [sflag:s2] =	dma.local @!p0 [hbm:s0], s1  }
0x8a: {  	s0 =	simm.s32 @!p0 $0x3  }
0x8b: {  	_ =	swait.ge @!p0 [sflag:s0], s1  }
0x8c: {  	s1 =	ssub.s32 @!p0 $0x0, s1;
	[sflag:s0] =	ssyncset.done @!p0 $0x0  }
0x8d: {  	[sflag:s0] =	ssyncadd.s32 @!p0 s1  }
0x8e: {  	[bflag:$0x3] =	sbarrier.arrive $0xFFFF  }
0x8f: {  	_ =	shalt  }

</sc_bundles>
